<compile_context>
chip_gen: v7x
topology: tpu7x:2x2x1
jax: 0.10.2.dev20260603
libtpu: 0.0.44.dev20260713+nightly
codegen_flags: <defaults>
</compile_context>

<pallas_src>
import functools

import jax
import jax.numpy as jnp
from jax import lax
from jax.experimental import pallas as pl
from jax.experimental.pallas import tpu as pltpu
from jax.experimental.pallas import tpu_sc as plsc

D_MODEL = 512
FEAT = 200
ROWS_PAD = 128

NUM_CORES = 2
NUM_SUBCORES = 16
NW = NUM_CORES * NUM_SUBCORES

CHUNK = 64


N_REP = 64


def _proj_body(table_ref, w_ref, b_ref, p_ref):
    p_ref[...] = (
        jnp.dot(table_ref[...], w_ref[...], preferred_element_type=jnp.float32)
        + b_ref[...]
    )


def _project_table(table_pad, W, b2):
    return pl.pallas_call(
        _proj_body,
        grid=(N_REP,),
        in_specs=[
            pl.BlockSpec((ROWS_PAD, FEAT), lambda k: (0, 0)),
            pl.BlockSpec((FEAT, D_MODEL), lambda k: (0, 0)),
            pl.BlockSpec((1, D_MODEL), lambda k: (0, 0)),
        ],
        out_specs=pl.BlockSpec((ROWS_PAD, D_MODEL), lambda k: (k, 0)),
        out_shape=jax.ShapeDtypeStruct((N_REP * ROWS_PAD, D_MODEL), jnp.float32),
    )(table_pad, W, b2)


def _make_gather(n_rows, t_dim):
    rows_per_w = n_rows // NW
    tok_per_w = rows_per_w * t_dim
    cpj = rows_per_w // CHUNK
    n_chunk = t_dim * cpj
    mesh = plsc.VectorSubcoreMesh(core_axis_name="c", subcore_axis_name="s")

    @functools.partial(
        pl.kernel,
        mesh=mesh,
        out_type=jax.ShapeDtypeStruct((t_dim, n_rows, D_MODEL), jnp.float32),
        scratch_types=[
            pltpu.VMEM((tok_per_w,), jnp.int32),
            pltpu.VMEM((CHUNK, D_MODEL), jnp.float32),
            pltpu.VMEM((CHUNK, D_MODEL), jnp.float32),
            pltpu.VMEM((CHUNK, D_MODEL), jnp.float32),
            pltpu.SemaphoreType.DMA,
            pltpu.SemaphoreType.DMA,
            pltpu.SemaphoreType.DMA,
            pltpu.SemaphoreType.DMA,
            pltpu.SemaphoreType.DMA,
            pltpu.SemaphoreType.DMA,
        ],
    )
    def gather_kernel(p_hbm, idx_hbm, out_hbm, idx_v, rows0, rows1, rows2,
                      gsem0, gsem1, gsem2, ssem0, ssem1, ssem2):
        wid = lax.axis_index("s") * NUM_CORES + lax.axis_index("c")
        row_base = wid * rows_per_w
        pltpu.sync_copy(idx_hbm.at[pl.ds(wid * tok_per_w, tok_per_w)], idx_v)

        rows = (rows0, rows1, rows2)
        gsem = (gsem0, gsem1, gsem2)
        ssem = (ssem0, ssem1, ssem2)

        def start_gather(m, b):
            pltpu.async_copy(
                p_hbm.at[idx_v.at[pl.ds(m * CHUNK, CHUNK)]], rows[b], gsem[b]
            )

        def start_scatter(m, b):
            t = m // cpj
            c = m - t * cpj
            pltpu.async_copy(
                rows[b], out_hbm.at[t, pl.ds(row_base + c * CHUNK, CHUNK)],
                ssem[b]
            )

        def wait_gather(b):
            pltpu.make_async_copy(p_hbm.at[idx_v.at[pl.ds(0, CHUNK)]],
                                  rows[b], gsem[b]).wait()

        def wait_scatter(b):
            pltpu.make_async_copy(rows[b], out_hbm.at[0, pl.ds(row_base, CHUNK)],
                                  ssem[b]).wait()

        start_gather(0, 0)
        start_gather(1, 1)
        n_grp = (n_chunk + 2) // 3

        def grp_body(i3, carry):
            for b in range(3):
                m = 3 * i3 + b
                nb = (b + 2) % 3

                @pl.when(m < n_chunk)
                def _():
                    wait_gather(b)

                    @pl.when(m + 2 < n_chunk)
                    def _():
                        @pl.when(m >= 1)
                        def _():
                            wait_scatter(nb)

                        start_gather(m + 2, nb)

                    start_scatter(m, b)
            return carry

        lax.fori_loop(0, n_grp, grp_body, 0)
        wait_scatter((n_chunk - 1) % 3)
        wait_scatter((n_chunk - 2) % 3)
        wait_scatter((n_chunk - 3) % 3)

    return gather_kernel


def kernel(src, table, W, b):
    B, T = src.shape
    table_pad = jnp.pad(table, ((0, ROWS_PAD - table.shape[0]), (0, 0)))
    P = _project_table(table_pad, W, b.reshape(1, D_MODEL))
    idx3 = jnp.transpose(src.reshape(NW, B // NW, T), (0, 2, 1))
    k_per_w = N_REP // NW
    w_off = jnp.arange(NW, dtype=jnp.int32) * (k_per_w * ROWS_PAD)
    par_off = (jnp.arange(B // NW, dtype=jnp.int32) % k_per_w) * ROWS_PAD
    idx = (idx3 + w_off[:, None, None] + par_off[None, None, :]).reshape(-1)
    out_t = _make_gather(B, T)(P, idx)
    return jnp.transpose(out_t, (1, 0, 2))

# --- scband reference (transcript-rebuilt; emitter-appended) ---
"""Pipeline reference for scband-embedder-48215302865783 (READ-ONLY COPY).

The authoritative reference and input builder live on the scoring server;
editing this copy changes nothing except your own understanding.
"""

import jax, jax.numpy as jnp
import numpy as np


def setup_inputs(seed: int = 0) -> dict:
    key = jax.random.key(seed)
    k1, k2, k3 = jax.random.split(key, 3)
    # element indices per token; 0 is the padding row, 1..118 are elements
    src = jax.random.randint(k1, (16384, 20), 0, 119, dtype=jnp.int32)
    # pretrained element-property embedding table: [119, feat_size]
    table = jax.random.normal(k2, (119, 200), dtype=jnp.float32)
    # fc_mat2vec: Linear(feat_size=200 -> d_model=512)
    W = jax.random.normal(k3, (200, 512), dtype=jnp.float32) * 0.05
    b = jnp.zeros((512,), dtype=jnp.float32)
    return {"src": src, "table": table, "W": W, "b": b}


def reference(src, table, W, b):
    # x = self.cbfv(src): embedding gather over the element-property table
    x = jnp.take(table, src, axis=0)          # [B, T, feat_size]
    # selector_k is None -> feature_selector skipped
    # x_emb = self.fc_mat2vec(x)
    x_emb = x @ W + b                          # [B, T, d_model]
    return x_emb

if __name__ == "__main__":
    import jax
    _d = setup_inputs()
    print(jax.jit(kernel)(*tuple(_d.values())))

</pallas_src>

<mosaic_0001>
#map = affine_map<(d0, d1) -> (0, 0)>
#map1 = affine_map<(d0, d1) -> (0)>
#map2 = affine_map<(d0, d1) -> (0, 0, 0)>
module attributes {stable_mosaic.version = 14 : i64} {
  func.func @gather_kernel(%arg0: i32, %arg1: i32, %arg2: memref<8192x512xf32, #tpu.memory_space<hbm>>, %arg3: memref<327680xi32, #tpu.memory_space<hbm>>, %arg4: memref<20x16384x512xf32, #tpu.memory_space<hbm>>, %arg5: memref<10240xi32, #tpu.memory_space<vmem>>, %arg6: memref<64x512xf32, #tpu.memory_space<vmem>>, %arg7: memref<64x512xf32, #tpu.memory_space<vmem>>, %arg8: memref<64x512xf32, #tpu.memory_space<vmem>>, %arg9: memref<!tpu.dma_semaphore, #tpu.memory_space<semaphore_mem>>, %arg10: memref<!tpu.dma_semaphore, #tpu.memory_space<semaphore_mem>>, %arg11: memref<!tpu.dma_semaphore, #tpu.memory_space<semaphore_mem>>, %arg12: memref<!tpu.dma_semaphore, #tpu.memory_space<semaphore_mem>>, %arg13: memref<!tpu.dma_semaphore, #tpu.memory_space<semaphore_mem>>, %arg14: memref<!tpu.dma_semaphore, #tpu.memory_space<semaphore_mem>>) attributes {dimension_semantics = [#tpu.dimension_semantics<core_parallel>, #tpu.dimension_semantics<subcore_parallel>], iteration_bounds = array<i64: 2, 16>, scalar_prefetch = 0 : i64, scratch_operands = 10 : i64, tpu.core_type = #tpu.core_type<sc_vector_subcore>, window_params = [{transform_indices = #map}, {transform_indices = #map1}, {transform_indices = #map2}]} {
    %mul3A = arith.constant 2 : i32
    %mul3A_0 = arith.muli %arg1, %mul3A : i32
    %add3A = arith.addi %mul3A_0, %arg0 : i32
    %mul3A_1 = arith.constant 512 : i32
    %mul3A_2 = arith.muli %add3A, %mul3A_1 : i32
    %mul3A_3 = arith.constant 10240 : i32
    %mul3A_4 = arith.muli %add3A, %mul3A_3 : i32
    "tpu.region"() ({
      %run_scoped3A = tpu.sem_alloc : memref<!tpu.dma_semaphore, #tpu.memory_space<semaphore_mem>>
      %dma_start3A_39 = tpu.memref_slice %arg3[%mul3A_4] : memref<327680xi32, #tpu.memory_space<hbm>> -> memref<10240xi32, #tpu.memory_space<hbm>>
      %dma_start3A_40 = tpu.memref_slice %arg3[%mul3A_4] : memref<327680xi32, #tpu.memory_space<hbm>> -> memref<10240xi32, #tpu.memory_space<hbm>>
      tpu.enqueue_dma source(%dma_start3A_40 : memref<10240xi32, #tpu.memory_space<hbm>>) target(%arg5 : memref<10240xi32, #tpu.memory_space<vmem>>) target_semaphore(%run_scoped3A : memref<!tpu.dma_semaphore, #tpu.memory_space<semaphore_mem>>)
      %dma_wait3A_41 = tpu.memref_slice %arg3[%mul3A_4] : memref<327680xi32, #tpu.memory_space<hbm>> -> memref<10240xi32, #tpu.memory_space<hbm>>
      %dma_wait3A_42 = tpu.memref_slice %arg3[%mul3A_4] : memref<327680xi32, #tpu.memory_space<hbm>> -> memref<10240xi32, #tpu.memory_space<hbm>>
      tpu.wait_dma2 semaphore(%run_scoped3A : memref<!tpu.dma_semaphore, #tpu.memory_space<semaphore_mem>>) src(%dma_wait3A_42 : memref<10240xi32, #tpu.memory_space<hbm>>) dst(%arg5 : memref<10240xi32, #tpu.memory_space<vmem>>)
      tpu.yield
    }) : () -> ()
    %dma_start3A = arith.constant 0 : i32
    %dma_start3A_5 = tpu.memref_slice %arg5[%dma_start3A] : memref<10240xi32, #tpu.memory_space<vmem>> -> memref<64xi32, #tpu.memory_space<vmem>>
    %dma_start3A_6 = arith.constant 0 : i32
    %dma_start3A_7 = arith.constant 0 : i32
    %dma_start3A_8 = tpu.memref_slice %arg2[%dma_start3A_6, %dma_start3A_7] : memref<8192x512xf32, #tpu.memory_space<hbm>> -> memref<8192x512xf32, #tpu.memory_space<hbm>>
    tpu.enqueue_indirect_dma source(%dma_start3A_8 : memref<8192x512xf32, #tpu.memory_space<hbm>>) target(%arg6 : memref<64x512xf32, #tpu.memory_space<vmem>>) offsets(%dma_start3A_5 : memref<64xi32, #tpu.memory_space<vmem>>) semaphore(%arg9 : memref<!tpu.dma_semaphore, #tpu.memory_space<semaphore_mem>>)
    %dma_start3A_9 = arith.constant 64 : i32
    %dma_start3A_10 = tpu.memref_slice %arg5[%dma_start3A_9] : memref<10240xi32, #tpu.memory_space<vmem>> -> memref<64xi32, #tpu.memory_space<vmem>>
    %dma_start3A_11 = arith.constant 0 : i32
    %dma_start3A_12 = arith.constant 0 : i32
    %dma_start3A_13 = tpu.memref_slice %arg2[%dma_start3A_11, %dma_start3A_12] : memref<8192x512xf32, #tpu.memory_space<hbm>> -> memref<8192x512xf32, #tpu.memory_space<hbm>>
    tpu.enqueue_indirect_dma source(%dma_start3A_13 : memref<8192x512xf32, #tpu.memory_space<hbm>>) target(%arg7 : memref<64x512xf32, #tpu.memory_space<vmem>>) offsets(%dma_start3A_10 : memref<64xi32, #tpu.memory_space<vmem>>) semaphore(%arg10 : memref<!tpu.dma_semaphore, #tpu.memory_space<semaphore_mem>>)
    %scan3A = arith.constant 0 : i32
    %scan3A_14 = arith.constant 0 : i32
    %scan3A_15 = arith.constant 54 : i32
    %scan3A_16 = arith.addi %scan3A_14, %scan3A_15 : i32
    %scan3A_17 = arith.constant 1 : i32
    scf.for %scan3A_39 = %scan3A_14 to %scan3A_16 step %scan3A_17  : i32 {
      %mul3A_40 = arith.constant 3 : i32
      %mul3A_41 = arith.muli %mul3A_40, %scan3A_39 : i32
      %add3A_42 = arith.constant 0 : i32
      %add3A_43 = arith.addi %mul3A_41, %add3A_42 : i32
      %lt3A = arith.constant 160 : i32
      %lt3A_44 = arith.cmpi slt, %add3A_43, %lt3A : i32
      %convert_element_type3A = arith.extui %lt3A_44 : i1 to i32
      %cond3A = arith.constant 0 : i32
      %cond3A_45 = arith.cmpi ne, %convert_element_type3A, %cond3A : i32
      scf.if %cond3A_45 {
        %dma_wait3A_64 = arith.constant 0 : i32
        %dma_wait3A_65 = tpu.memref_slice %arg5[%dma_wait3A_64] : memref<10240xi32, #tpu.memory_space<vmem>> -> memref<64xi32, #tpu.memory_space<vmem>>
        %dma_wait3A_66 = arith.constant 0 : i32
        %dma_wait3A_67 = arith.constant 0 : i32
        %dma_wait3A_68 = tpu.memref_slice %arg2[%dma_wait3A_66, %dma_wait3A_67] : memref<8192x512xf32, #tpu.memory_space<hbm>> -> memref<8192x512xf32, #tpu.memory_space<hbm>>
        tpu.wait_indirect_dma semaphore(%arg9 : memref<!tpu.dma_semaphore, #tpu.memory_space<semaphore_mem>>) src(%dma_wait3A_68 : memref<8192x512xf32, #tpu.memory_space<hbm>>) dst(%arg6 : memref<64x512xf32, #tpu.memory_space<vmem>>)
        %add3A_69 = arith.constant 2 : i32
        %add3A_70 = arith.addi %add3A_43, %add3A_69 : i32
        %lt3A_71 = arith.constant 160 : i32
        %lt3A_72 = arith.cmpi slt, %add3A_70, %lt3A_71 : i32
        %convert_element_type3A_73 = arith.extui %lt3A_72 : i1 to i32
        %cond3A_74 = arith.constant 0 : i32
        %cond3A_75 = arith.cmpi ne, %convert_element_type3A_73, %cond3A_74 : i32
        scf.if %cond3A_75 {
          %ge3A = arith.constant 1 : i32
          %ge3A_104 = arith.cmpi sge, %add3A_43, %ge3A : i32
          %convert_element_type3A_105 = arith.extui %ge3A_104 : i1 to i32
          %cond3A_106 = arith.constant 0 : i32
          %cond3A_107 = arith.cmpi ne, %convert_element_type3A_105, %cond3A_106 : i32
          scf.if %cond3A_107 {
            %dma_wait3A_116 = arith.constant 0 : i32
            %dma_wait3A_117 = arith.constant 0 : i32
            %dma_wait3A_118 = tpu.memref_slice %arg4[%dma_wait3A_116, %mul3A_2, %dma_wait3A_117] : memref<20x16384x512xf32, #tpu.memory_space<hbm>> -> memref<1x64x512xf32, #tpu.memory_space<hbm>>
            %dma_wait3A_119 = tpu.memref_squeeze %dma_wait3A_118 : memref<1x64x512xf32, #tpu.memory_space<hbm>> -> memref<64x512xf32, #tpu.memory_space<hbm>>
            %dma_wait3A_120 = arith.constant 0 : i32
            %dma_wait3A_121 = tpu.memref_slice %arg4[%dma_wait3A_116, %mul3A_2, %dma_wait3A_120] : memref<20x16384x512xf32, #tpu.memory_space<hbm>> -> memref<1x64x512xf32, #tpu.memory_space<hbm>>
            %dma_wait3A_122 = tpu.memref_squeeze %dma_wait3A_121 : memref<1x64x512xf32, #tpu.memory_space<hbm>> -> memref<64x512xf32, #tpu.memory_space<hbm>>
            tpu.wait_dma2 semaphore(%arg14 : memref<!tpu.dma_semaphore, #tpu.memory_space<semaphore_mem>>) src(%arg8 : memref<64x512xf32, #tpu.memory_space<vmem>>) dst(%dma_wait3A_122 : memref<64x512xf32, #tpu.memory_space<hbm>>)
          } else {
          }
          %add3A_108 = arith.constant 2 : i32
          %add3A_109 = arith.addi %add3A_43, %add3A_108 : i32
          %mul3A_110 = arith.constant 64 : i32
          %mul3A_111 = arith.muli %add3A_109, %mul3A_110 : i32
          %dma_start3A_112 = tpu.memref_slice %arg5[%mul3A_111] : memref<10240xi32, #tpu.memory_space<vmem>> -> memref<64xi32, #tpu.memory_space<vmem>>
          %dma_start3A_113 = arith.constant 0 : i32
          %dma_start3A_114 = arith.constant 0 : i32
          %dma_start3A_115 = tpu.memref_slice %arg2[%dma_start3A_113, %dma_start3A_114] : memref<8192x512xf32, #tpu.memory_space<hbm>> -> memref<8192x512xf32, #tpu.memory_space<hbm>>
          tpu.enqueue_indirect_dma source(%dma_start3A_115 : memref<8192x512xf32, #tpu.memory_space<hbm>>) target(%arg8 : memref<64x512xf32, #tpu.memory_space<vmem>>) offsets(%dma_start3A_112 : memref<64xi32, #tpu.memory_space<vmem>>) semaphore(%arg11 : memref<!tpu.dma_semaphore, #tpu.memory_space<semaphore_mem>>)
        } else {
        }
        %jit3A = arith.constant 8 : i32
        %div3A = arith.divsi %add3A_43, %jit3A : i32
        %sign3A = arith.constant 0 : i32
        %sign3A_76 = arith.cmpi sgt, %add3A_43, %sign3A : i32
        %sign3A_77 = arith.extui %sign3A_76 : i1 to i32
        %sign3A_78 = arith.constant 0 : i32
        %sign3A_79 = arith.cmpi slt, %add3A_43, %sign3A_78 : i32
        %sign3A_80 = arith.extui %sign3A_79 : i1 to i32
        %sign3A_81 = arith.subi %sign3A_77, %sign3A_80 : i32
        %sign3A_82 = arith.constant 0 : i32
        %sign3A_83 = arith.cmpi sgt, %jit3A, %sign3A_82 : i32
        %sign3A_84 = arith.extui %sign3A_83 : i1 to i32
        %sign3A_85 = arith.constant 0 : i32
        %sign3A_86 = arith.cmpi slt, %jit3A, %sign3A_85 : i32
        %sign3A_87 = arith.extui %sign3A_86 : i1 to i32
        %sign3A_88 = arith.subi %sign3A_84, %sign3A_87 : i32
        %ne3A = arith.cmpi ne, %sign3A_81, %sign3A_88 : i32
        %rem3A = arith.remsi %add3A_43, %jit3A : i32
        %ne3A_89 = arith.constant 0 : i32
        %ne3A_90 = arith.cmpi ne, %rem3A, %ne3A_89 : i32
        %and3A = arith.andi %ne3A, %ne3A_90 : i1
        %sub3A = arith.constant 1 : i32
        %sub3A_91 = arith.subi %div3A, %sub3A : i32
        %select_n3A = arith.select %and3A, %sub3A_91, %div3A : i32
        %mul3A_92 = arith.constant 8 : i32
        %mul3A_93 = arith.muli %select_n3A, %mul3A_92 : i32
        %sub3A_94 = arith.subi %add3A_43, %mul3A_93 : i32
        %mul3A_95 = arith.constant 64 : i32
        %mul3A_96 = arith.muli %sub3A_94, %mul3A_95 : i32
        %add3A_97 = arith.addi %mul3A_2, %mul3A_96 : i32
        %dma_start3A_98 = arith.constant 0 : i32
        %dma_start3A_99 = tpu.memref_slice %arg4[%select_n3A, %add3A_97, %dma_start3A_98] : memref<20x16384x512xf32, #tpu.memory_space<hbm>> -> memref<1x64x512xf32, #tpu.memory_space<hbm>>
        %dma_start3A_100 = tpu.memref_squeeze %dma_start3A_99 : memref<1x64x512xf32, #tpu.memory_space<hbm>> -> memref<64x512xf32, #tpu.memory_space<hbm>>
        %dma_start3A_101 = arith.constant 0 : i32
        %dma_start3A_102 = tpu.memref_slice %arg4[%select_n3A, %add3A_97, %dma_start3A_101] : memref<20x16384x512xf32, #tpu.memory_space<hbm>> -> memref<1x64x512xf32, #tpu.memory_space<hbm>>
        %dma_start3A_103 = tpu.memref_squeeze %dma_start3A_102 : memref<1x64x512xf32, #tpu.memory_space<hbm>> -> memref<64x512xf32, #tpu.memory_space<hbm>>
        tpu.enqueue_dma source(%arg6 : memref<64x512xf32, #tpu.memory_space<vmem>>) target(%dma_start3A_103 : memref<64x512xf32, #tpu.memory_space<hbm>>) target_semaphore(%arg12 : memref<!tpu.dma_semaphore, #tpu.memory_space<semaphore_mem>>)
      } else {
      }
      %mul3A_46 = arith.constant 3 : i32
      %mul3A_47 = arith.muli %mul3A_46, %scan3A_39 : i32
      %add3A_48 = arith.constant 1 : i32
      %add3A_49 = arith.addi %mul3A_47, %add3A_48 : i32
      %lt3A_50 = arith.constant 160 : i32
      %lt3A_51 = arith.cmpi slt, %add3A_49, %lt3A_50 : i32
      %convert_element_type3A_52 = arith.extui %lt3A_51 : i1 to i32
      %cond3A_53 = arith.constant 0 : i32
      %cond3A_54 = arith.cmpi ne, %convert_element_type3A_52, %cond3A_53 : i32
      scf.if %cond3A_54 {
        %dma_wait3A_64 = arith.constant 0 : i32
        %dma_wait3A_65 = tpu.memref_slice %arg5[%dma_wait3A_64] : memref<10240xi32, #tpu.memory_space<vmem>> -> memref<64xi32, #tpu.memory_space<vmem>>
        %dma_wait3A_66 = arith.constant 0 : i32
        %dma_wait3A_67 = arith.constant 0 : i32
        %dma_wait3A_68 = tpu.memref_slice %arg2[%dma_wait3A_66, %dma_wait3A_67] : memref<8192x512xf32, #tpu.memory_space<hbm>> -> memref<8192x512xf32, #tpu.memory_space<hbm>>
        tpu.wait_indirect_dma semaphore(%arg10 : memref<!tpu.dma_semaphore, #tpu.memory_space<semaphore_mem>>) src(%dma_wait3A_68 : memref<8192x512xf32, #tpu.memory_space<hbm>>) dst(%arg7 : memref<64x512xf32, #tpu.memory_space<vmem>>)
        %add3A_69 = arith.constant 2 : i32
        %add3A_70 = arith.addi %add3A_49, %add3A_69 : i32
        %lt3A_71 = arith.constant 160 : i32
        %lt3A_72 = arith.cmpi slt, %add3A_70, %lt3A_71 : i32
        %convert_element_type3A_73 = arith.extui %lt3A_72 : i1 to i32
        %cond3A_74 = arith.constant 0 : i32
        %cond3A_75 = arith.cmpi ne, %convert_element_type3A_73, %cond3A_74 : i32
        scf.if %cond3A_75 {
          %ge3A = arith.constant 1 : i32
          %ge3A_104 = arith.cmpi sge, %add3A_49, %ge3A : i32
          %convert_element_type3A_105 = arith.extui %ge3A_104 : i1 to i32
          %cond3A_106 = arith.constant 0 : i32
          %cond3A_107 = arith.cmpi ne, %convert_element_type3A_105, %cond3A_106 : i32
          scf.if %cond3A_107 {
            %dma_wait3A_116 = arith.constant 0 : i32
            %dma_wait3A_117 = arith.constant 0 : i32
            %dma_wait3A_118 = tpu.memref_slice %arg4[%dma_wait3A_116, %mul3A_2, %dma_wait3A_117] : memref<20x16384x512xf32, #tpu.memory_space<hbm>> -> memref<1x64x512xf32, #tpu.memory_space<hbm>>
            %dma_wait3A_119 = tpu.memref_squeeze %dma_wait3A_118 : memref<1x64x512xf32, #tpu.memory_space<hbm>> -> memref<64x512xf32, #tpu.memory_space<hbm>>
            %dma_wait3A_120 = arith.constant 0 : i32
            %dma_wait3A_121 = tpu.memref_slice %arg4[%dma_wait3A_116, %mul3A_2, %dma_wait3A_120] : memref<20x16384x512xf32, #tpu.memory_space<hbm>> -> memref<1x64x512xf32, #tpu.memory_space<hbm>>
            %dma_wait3A_122 = tpu.memref_squeeze %dma_wait3A_121 : memref<1x64x512xf32, #tpu.memory_space<hbm>> -> memref<64x512xf32, #tpu.memory_space<hbm>>
            tpu.wait_dma2 semaphore(%arg12 : memref<!tpu.dma_semaphore, #tpu.memory_space<semaphore_mem>>) src(%arg6 : memref<64x512xf32, #tpu.memory_space<vmem>>) dst(%dma_wait3A_122 : memref<64x512xf32, #tpu.memory_space<hbm>>)
          } else {
          }
          %add3A_108 = arith.constant 2 : i32
          %add3A_109 = arith.addi %add3A_49, %add3A_108 : i32
          %mul3A_110 = arith.constant 64 : i32
          %mul3A_111 = arith.muli %add3A_109, %mul3A_110 : i32
          %dma_start3A_112 = tpu.memref_slice %arg5[%mul3A_111] : memref<10240xi32, #tpu.memory_space<vmem>> -> memref<64xi32, #tpu.memory_space<vmem>>
          %dma_start3A_113 = arith.constant 0 : i32
          %dma_start3A_114 = arith.constant 0 : i32
          %dma_start3A_115 = tpu.memref_slice %arg2[%dma_start3A_113, %dma_start3A_114] : memref<8192x512xf32, #tpu.memory_space<hbm>> -> memref<8192x512xf32, #tpu.memory_space<hbm>>
          tpu.enqueue_indirect_dma source(%dma_start3A_115 : memref<8192x512xf32, #tpu.memory_space<hbm>>) target(%arg6 : memref<64x512xf32, #tpu.memory_space<vmem>>) offsets(%dma_start3A_112 : memref<64xi32, #tpu.memory_space<vmem>>) semaphore(%arg9 : memref<!tpu.dma_semaphore, #tpu.memory_space<semaphore_mem>>)
        } else {
        }
        %jit3A = arith.constant 8 : i32
        %div3A = arith.divsi %add3A_49, %jit3A : i32
        %sign3A = arith.constant 0 : i32
        %sign3A_76 = arith.cmpi sgt, %add3A_49, %sign3A : i32
        %sign3A_77 = arith.extui %sign3A_76 : i1 to i32
        %sign3A_78 = arith.constant 0 : i32
        %sign3A_79 = arith.cmpi slt, %add3A_49, %sign3A_78 : i32
        %sign3A_80 = arith.extui %sign3A_79 : i1 to i32
        %sign3A_81 = arith.subi %sign3A_77, %sign3A_80 : i32
        %sign3A_82 = arith.constant 0 : i32
        %sign3A_83 = arith.cmpi sgt, %jit3A, %sign3A_82 : i32
        %sign3A_84 = arith.extui %sign3A_83 : i1 to i32
        %sign3A_85 = arith.constant 0 : i32
        %sign3A_86 = arith.cmpi slt, %jit3A, %sign3A_85 : i32
        %sign3A_87 = arith.extui %sign3A_86 : i1 to i32
        %sign3A_88 = arith.subi %sign3A_84, %sign3A_87 : i32
        %ne3A = arith.cmpi ne, %sign3A_81, %sign3A_88 : i32
        %rem3A = arith.remsi %add3A_49, %jit3A : i32
        %ne3A_89 = arith.constant 0 : i32
        %ne3A_90 = arith.cmpi ne, %rem3A, %ne3A_89 : i32
        %and3A = arith.andi %ne3A, %ne3A_90 : i1
        %sub3A = arith.constant 1 : i32
        %sub3A_91 = arith.subi %div3A, %sub3A : i32
        %select_n3A = arith.select %and3A, %sub3A_91, %div3A : i32
        %mul3A_92 = arith.constant 8 : i32
        %mul3A_93 = arith.muli %select_n3A, %mul3A_92 : i32
        %sub3A_94 = arith.subi %add3A_49, %mul3A_93 : i32
        %mul3A_95 = arith.constant 64 : i32
        %mul3A_96 = arith.muli %sub3A_94, %mul3A_95 : i32
        %add3A_97 = arith.addi %mul3A_2, %mul3A_96 : i32
        %dma_start3A_98 = arith.constant 0 : i32
        %dma_start3A_99 = tpu.memref_slice %arg4[%select_n3A, %add3A_97, %dma_start3A_98] : memref<20x16384x512xf32, #tpu.memory_space<hbm>> -> memref<1x64x512xf32, #tpu.memory_space<hbm>>
        %dma_start3A_100 = tpu.memref_squeeze %dma_start3A_99 : memref<1x64x512xf32, #tpu.memory_space<hbm>> -> memref<64x512xf32, #tpu.memory_space<hbm>>
        %dma_start3A_101 = arith.constant 0 : i32
        %dma_start3A_102 = tpu.memref_slice %arg4[%select_n3A, %add3A_97, %dma_start3A_101] : memref<20x16384x512xf32, #tpu.memory_space<hbm>> -> memref<1x64x512xf32, #tpu.memory_space<hbm>>
        %dma_start3A_103 = tpu.memref_squeeze %dma_start3A_102 : memref<1x64x512xf32, #tpu.memory_space<hbm>> -> memref<64x512xf32, #tpu.memory_space<hbm>>
        tpu.enqueue_dma source(%arg7 : memref<64x512xf32, #tpu.memory_space<vmem>>) target(%dma_start3A_103 : memref<64x512xf32, #tpu.memory_space<hbm>>) target_semaphore(%arg13 : memref<!tpu.dma_semaphore, #tpu.memory_space<semaphore_mem>>)
      } else {
      }
      %mul3A_55 = arith.constant 3 : i32
      %mul3A_56 = arith.muli %mul3A_55, %scan3A_39 : i32
      %add3A_57 = arith.constant 2 : i32
      %add3A_58 = arith.addi %mul3A_56, %add3A_57 : i32
      %lt3A_59 = arith.constant 160 : i32
      %lt3A_60 = arith.cmpi slt, %add3A_58, %lt3A_59 : i32
      %convert_element_type3A_61 = arith.extui %lt3A_60 : i1 to i32
      %cond3A_62 = arith.constant 0 : i32
      %cond3A_63 = arith.cmpi ne, %convert_element_type3A_61, %cond3A_62 : i32
      scf.if %cond3A_63 {
        %dma_wait3A_64 = arith.constant 0 : i32
        %dma_wait3A_65 = tpu.memref_slice %arg5[%dma_wait3A_64] : memref<10240xi32, #tpu.memory_space<vmem>> -> memref<64xi32, #tpu.memory_space<vmem>>
        %dma_wait3A_66 = arith.constant 0 : i32
        %dma_wait3A_67 = arith.constant 0 : i32
        %dma_wait3A_68 = tpu.memref_slice %arg2[%dma_wait3A_66, %dma_wait3A_67] : memref<8192x512xf32, #tpu.memory_space<hbm>> -> memref<8192x512xf32, #tpu.memory_space<hbm>>
        tpu.wait_indirect_dma semaphore(%arg11 : memref<!tpu.dma_semaphore, #tpu.memory_space<semaphore_mem>>) src(%dma_wait3A_68 : memref<8192x512xf32, #tpu.memory_space<hbm>>) dst(%arg8 : memref<64x512xf32, #tpu.memory_space<vmem>>)
        %add3A_69 = arith.constant 2 : i32
        %add3A_70 = arith.addi %add3A_58, %add3A_69 : i32
        %lt3A_71 = arith.constant 160 : i32
        %lt3A_72 = arith.cmpi slt, %add3A_70, %lt3A_71 : i32
        %convert_element_type3A_73 = arith.extui %lt3A_72 : i1 to i32
        %cond3A_74 = arith.constant 0 : i32
        %cond3A_75 = arith.cmpi ne, %convert_element_type3A_73, %cond3A_74 : i32
        scf.if %cond3A_75 {
          %ge3A = arith.constant 1 : i32
          %ge3A_104 = arith.cmpi sge, %add3A_58, %ge3A : i32
          %convert_element_type3A_105 = arith.extui %ge3A_104 : i1 to i32
          %cond3A_106 = arith.constant 0 : i32
          %cond3A_107 = arith.cmpi ne, %convert_element_type3A_105, %cond3A_106 : i32
          scf.if %cond3A_107 {
            %dma_wait3A_116 = arith.constant 0 : i32
            %dma_wait3A_117 = arith.constant 0 : i32
            %dma_wait3A_118 = tpu.memref_slice %arg4[%dma_wait3A_116, %mul3A_2, %dma_wait3A_117] : memref<20x16384x512xf32, #tpu.memory_space<hbm>> -> memref<1x64x512xf32, #tpu.memory_space<hbm>>
            %dma_wait3A_119 = tpu.memref_squeeze %dma_wait3A_118 : memref<1x64x512xf32, #tpu.memory_space<hbm>> -> memref<64x512xf32, #tpu.memory_space<hbm>>
            %dma_wait3A_120 = arith.constant 0 : i32
            %dma_wait3A_121 = tpu.memref_slice %arg4[%dma_wait3A_116, %mul3A_2, %dma_wait3A_120] : memref<20x16384x512xf32, #tpu.memory_space<hbm>> -> memref<1x64x512xf32, #tpu.memory_space<hbm>>
            %dma_wait3A_122 = tpu.memref_squeeze %dma_wait3A_121 : memref<1x64x512xf32, #tpu.memory_space<hbm>> -> memref<64x512xf32, #tpu.memory_space<hbm>>
            tpu.wait_dma2 semaphore(%arg13 : memref<!tpu.dma_semaphore, #tpu.memory_space<semaphore_mem>>) src(%arg7 : memref<64x512xf32, #tpu.memory_space<vmem>>) dst(%dma_wait3A_122 : memref<64x512xf32, #tpu.memory_space<hbm>>)
          } else {
          }
          %add3A_108 = arith.constant 2 : i32
          %add3A_109 = arith.addi %add3A_58, %add3A_108 : i32
          %mul3A_110 = arith.constant 64 : i32
          %mul3A_111 = arith.muli %add3A_109, %mul3A_110 : i32
          %dma_start3A_112 = tpu.memref_slice %arg5[%mul3A_111] : memref<10240xi32, #tpu.memory_space<vmem>> -> memref<64xi32, #tpu.memory_space<vmem>>
          %dma_start3A_113 = arith.constant 0 : i32
          %dma_start3A_114 = arith.constant 0 : i32
          %dma_start3A_115 = tpu.memref_slice %arg2[%dma_start3A_113, %dma_start3A_114] : memref<8192x512xf32, #tpu.memory_space<hbm>> -> memref<8192x512xf32, #tpu.memory_space<hbm>>
          tpu.enqueue_indirect_dma source(%dma_start3A_115 : memref<8192x512xf32, #tpu.memory_space<hbm>>) target(%arg7 : memref<64x512xf32, #tpu.memory_space<vmem>>) offsets(%dma_start3A_112 : memref<64xi32, #tpu.memory_space<vmem>>) semaphore(%arg10 : memref<!tpu.dma_semaphore, #tpu.memory_space<semaphore_mem>>)
        } else {
        }
        %jit3A = arith.constant 8 : i32
        %div3A = arith.divsi %add3A_58, %jit3A : i32
        %sign3A = arith.constant 0 : i32
        %sign3A_76 = arith.cmpi sgt, %add3A_58, %sign3A : i32
        %sign3A_77 = arith.extui %sign3A_76 : i1 to i32
        %sign3A_78 = arith.constant 0 : i32
        %sign3A_79 = arith.cmpi slt, %add3A_58, %sign3A_78 : i32
        %sign3A_80 = arith.extui %sign3A_79 : i1 to i32
        %sign3A_81 = arith.subi %sign3A_77, %sign3A_80 : i32
        %sign3A_82 = arith.constant 0 : i32
        %sign3A_83 = arith.cmpi sgt, %jit3A, %sign3A_82 : i32
        %sign3A_84 = arith.extui %sign3A_83 : i1 to i32
        %sign3A_85 = arith.constant 0 : i32
        %sign3A_86 = arith.cmpi slt, %jit3A, %sign3A_85 : i32
        %sign3A_87 = arith.extui %sign3A_86 : i1 to i32
        %sign3A_88 = arith.subi %sign3A_84, %sign3A_87 : i32
        %ne3A = arith.cmpi ne, %sign3A_81, %sign3A_88 : i32
        %rem3A = arith.remsi %add3A_58, %jit3A : i32
        %ne3A_89 = arith.constant 0 : i32
        %ne3A_90 = arith.cmpi ne, %rem3A, %ne3A_89 : i32
        %and3A = arith.andi %ne3A, %ne3A_90 : i1
        %sub3A = arith.constant 1 : i32
        %sub3A_91 = arith.subi %div3A, %sub3A : i32
        %select_n3A = arith.select %and3A, %sub3A_91, %div3A : i32
        %mul3A_92 = arith.constant 8 : i32
        %mul3A_93 = arith.muli %select_n3A, %mul3A_92 : i32
        %sub3A_94 = arith.subi %add3A_58, %mul3A_93 : i32
        %mul3A_95 = arith.constant 64 : i32
        %mul3A_96 = arith.muli %sub3A_94, %mul3A_95 : i32
        %add3A_97 = arith.addi %mul3A_2, %mul3A_96 : i32
        %dma_start3A_98 = arith.constant 0 : i32
        %dma_start3A_99 = tpu.memref_slice %arg4[%select_n3A, %add3A_97, %dma_start3A_98] : memref<20x16384x512xf32, #tpu.memory_space<hbm>> -> memref<1x64x512xf32, #tpu.memory_space<hbm>>
        %dma_start3A_100 = tpu.memref_squeeze %dma_start3A_99 : memref<1x64x512xf32, #tpu.memory_space<hbm>> -> memref<64x512xf32, #tpu.memory_space<hbm>>
        %dma_start3A_101 = arith.constant 0 : i32
        %dma_start3A_102 = tpu.memref_slice %arg4[%select_n3A, %add3A_97, %dma_start3A_101] : memref<20x16384x512xf32, #tpu.memory_space<hbm>> -> memref<1x64x512xf32, #tpu.memory_space<hbm>>
        %dma_start3A_103 = tpu.memref_squeeze %dma_start3A_102 : memref<1x64x512xf32, #tpu.memory_space<hbm>> -> memref<64x512xf32, #tpu.memory_space<hbm>>
        tpu.enqueue_dma source(%arg8 : memref<64x512xf32, #tpu.memory_space<vmem>>) target(%dma_start3A_103 : memref<64x512xf32, #tpu.memory_space<hbm>>) target_semaphore(%arg14 : memref<!tpu.dma_semaphore, #tpu.memory_space<semaphore_mem>>)
      } else {
      }
    }
    %scan3A_18 = arith.constant 54 : i32
    %dma_wait3A = arith.constant 0 : i32
    %dma_wait3A_19 = arith.constant 0 : i32
    %dma_wait3A_20 = tpu.memref_slice %arg4[%dma_wait3A, %mul3A_2, %dma_wait3A_19] : memref<20x16384x512xf32, #tpu.memory_space<hbm>> -> memref<1x64x512xf32, #tpu.memory_space<hbm>>
    %dma_wait3A_21 = tpu.memref_squeeze %dma_wait3A_20 : memref<1x64x512xf32, #tpu.memory_space<hbm>> -> memref<64x512xf32, #tpu.memory_space<hbm>>
    %dma_wait3A_22 = arith.constant 0 : i32
    %dma_wait3A_23 = tpu.memref_slice %arg4[%dma_wait3A, %mul3A_2, %dma_wait3A_22] : memref<20x16384x512xf32, #tpu.memory_space<hbm>> -> memref<1x64x512xf32, #tpu.memory_space<hbm>>
    %dma_wait3A_24 = tpu.memref_squeeze %dma_wait3A_23 : memref<1x64x512xf32, #tpu.memory_space<hbm>> -> memref<64x512xf32, #tpu.memory_space<hbm>>
    tpu.wait_dma2 semaphore(%arg12 : memref<!tpu.dma_semaphore, #tpu.memory_space<semaphore_mem>>) src(%arg6 : memref<64x512xf32, #tpu.memory_space<vmem>>) dst(%dma_wait3A_24 : memref<64x512xf32, #tpu.memory_space<hbm>>)
    %dma_wait3A_25 = arith.constant 0 : i32
    %dma_wait3A_26 = arith.constant 0 : i32
    %dma_wait3A_27 = tpu.memref_slice %arg4[%dma_wait3A_25, %mul3A_2, %dma_wait3A_26] : memref<20x16384x512xf32, #tpu.memory_space<hbm>> -> memref<1x64x512xf32, #tpu.memory_space<hbm>>
    %dma_wait3A_28 = tpu.memref_squeeze %dma_wait3A_27 : memref<1x64x512xf32, #tpu.memory_space<hbm>> -> memref<64x512xf32, #tpu.memory_space<hbm>>
    %dma_wait3A_29 = arith.constant 0 : i32
    %dma_wait3A_30 = tpu.memref_slice %arg4[%dma_wait3A_25, %mul3A_2, %dma_wait3A_29] : memref<20x16384x512xf32, #tpu.memory_space<hbm>> -> memref<1x64x512xf32, #tpu.memory_space<hbm>>
    %dma_wait3A_31 = tpu.memref_squeeze %dma_wait3A_30 : memref<1x64x512xf32, #tpu.memory_space<hbm>> -> memref<64x512xf32, #tpu.memory_space<hbm>>
    tpu.wait_dma2 semaphore(%arg14 : memref<!tpu.dma_semaphore, #tpu.memory_space<semaphore_mem>>) src(%arg8 : memref<64x512xf32, #tpu.memory_space<vmem>>) dst(%dma_wait3A_31 : memref<64x512xf32, #tpu.memory_space<hbm>>)
    %dma_wait3A_32 = arith.constant 0 : i32
    %dma_wait3A_33 = arith.constant 0 : i32
    %dma_wait3A_34 = tpu.memref_slice %arg4[%dma_wait3A_32, %mul3A_2, %dma_wait3A_33] : memref<20x16384x512xf32, #tpu.memory_space<hbm>> -> memref<1x64x512xf32, #tpu.memory_space<hbm>>
    %dma_wait3A_35 = tpu.memref_squeeze %dma_wait3A_34 : memref<1x64x512xf32, #tpu.memory_space<hbm>> -> memref<64x512xf32, #tpu.memory_space<hbm>>
    %dma_wait3A_36 = arith.constant 0 : i32
    %dma_wait3A_37 = tpu.memref_slice %arg4[%dma_wait3A_32, %mul3A_2, %dma_wait3A_36] : memref<20x16384x512xf32, #tpu.memory_space<hbm>> -> memref<1x64x512xf32, #tpu.memory_space<hbm>>
    %dma_wait3A_38 = tpu.memref_squeeze %dma_wait3A_37 : memref<1x64x512xf32, #tpu.memory_space<hbm>> -> memref<64x512xf32, #tpu.memory_space<hbm>>
    tpu.wait_dma2 semaphore(%arg13 : memref<!tpu.dma_semaphore, #tpu.memory_space<semaphore_mem>>) src(%arg7 : memref<64x512xf32, #tpu.memory_space<vmem>>) dst(%dma_wait3A_38 : memref<64x512xf32, #tpu.memory_space<hbm>>)
    return
  }
}

module attributes {stable_mosaic.version = 14 : i64} {
  func.func @_proj_body(%arg0: i32, %arg1: memref<128x200xf32, #tpu.memory_space<vmem>>, %arg2: memref<200x512xf32, #tpu.memory_space<vmem>>, %arg3: memref<1x512xf32, #tpu.memory_space<vmem>>, %arg4: memref<128x512xf32, #tpu.memory_space<vmem>>) attributes {dimension_semantics = [#tpu.dimension_semantics<arbitrary>], iteration_bounds = array<i64: 64>, scalar_prefetch = 0 : i64, scratch_operands = 0 : i64, tpu.core_type = #tpu.core_type<tc>, window_params = [{pipeline_mode = #tpu.pipeline_mode<synchronous>, transform_indices = @transform_0, window_bounds = array<i64: 128, 200>}, {pipeline_mode = #tpu.pipeline_mode<synchronous>, transform_indices = @transform_1, window_bounds = array<i64: 200, 512>}, {pipeline_mode = #tpu.pipeline_mode<synchronous>, transform_indices = @transform_2, window_bounds = array<i64: 1, 512>}, {transform_indices = @transform_3, window_bounds = array<i64: 128, 512>}]} {
    %get3A = arith.constant 0 : index
    %get3A_0 = arith.constant 0 : index
    %get3A_1 = vector.load %arg1[%get3A, %get3A_0] : memref<128x200xf32, #tpu.memory_space<vmem>>, vector<128x200xf32>
    %get3A_2 = arith.constant 0 : index
    %get3A_3 = arith.constant 0 : index
    %get3A_4 = vector.load %arg2[%get3A_2, %get3A_3] : memref<200x512xf32, #tpu.memory_space<vmem>>, vector<200x512xf32>
    %dot_general3A = arith.constant dense<0.000000e+00> : vector<128x512xf32>
    %dot_general3A_5 = tpu.matmul %get3A_1, %get3A_4, %dot_general3A {dimension_numbers = #tpu.dot_dimension_numbers<[1], [0], [0], [1], [0, 0, 1, 1], [], []>, transpose_lhs_hint = false} : vector<128x200xf32>, vector<200x512xf32>, vector<128x512xf32> -> vector<128x512xf32>
    %get3A_6 = arith.constant 0 : index
    %get3A_7 = arith.constant 0 : index
    %get3A_8 = vector.load %arg3[%get3A_6, %get3A_7] : memref<1x512xf32, #tpu.memory_space<vmem>>, vector<1x512xf32>
    %add3A = vector.broadcast %get3A_8 : vector<1x512xf32> to vector<128x512xf32>
    %add3A_9 = arith.addf %dot_general3A_5, %add3A : vector<128x512xf32>
    %swap3A = arith.constant 0 : index
    %swap3A_10 = arith.constant 0 : index
    %swap3A_11 = vector.load %arg4[%swap3A, %swap3A_10] : memref<128x512xf32, #tpu.memory_space<vmem>>, vector<128x512xf32>
    tpu.vector_store %arg4[%swap3A, %swap3A_10], %add3A_9 {strides = array<i32>} : memref<128x512xf32, #tpu.memory_space<vmem>>, vector<128x512xf32>,
    return
  }
  func.func @transform_0(%arg0: i32) -> (i32, i32) {
    %c0_i32 = arith.constant 0 : i32
    %c0_i32_0 = arith.constant 0 : i32
    %c0_i32_1 = arith.constant 0 : i32
    return %c0_i32, %c0_i32_0 : i32, i32
  }
  func.func @transform_1(%arg0: i32) -> (i32, i32) {
    %c0_i32 = arith.constant 0 : i32
    %c0_i32_0 = arith.constant 0 : i32
    %c0_i32_1 = arith.constant 0 : i32
    return %c0_i32, %c0_i32_0 : i32, i32
  }
  func.func @transform_2(%arg0: i32) -> (i32, i32) {
    %c0_i32 = arith.constant 0 : i32
    %c0_i32_0 = arith.constant 0 : i32
    %c0_i32_1 = arith.constant 0 : i32
    return %c0_i32, %c0_i32_0 : i32, i32
  }
  func.func @transform_3(%arg0: i32) -> (i32, i32) {
    %c0_i32 = arith.constant 0 : i32
    %c0_i32_0 = arith.constant 0 : i32
    return %arg0, %c0_i32 : i32, i32
  }
}

</mosaic_0001>

<sc_bundles>
// kernel: kernel.4.cloned.1.call-start
scs
__scs_entry_jumppad:
0x0: {  	(pc) =	sbr.rel $0x88, $3  }
0x1: {  	(tag) =	ssettag $0x0;
	lr =	simm.s32 $0x1  }
0x2: {  	[smem:$0x3F9D] =	sst lr;
	_ =	strace $0xD0000000  }
0x3: {  	_ = 	snop  }
0x4: {  	_ = 	snop  }
0x5: {  	_ = 	snop  }
0x6: {  	_ = 	snop  }
0x7: {  	_ = 	snop  }
__scs_overlays_trampoline_lowered:
0x8: {  	[smem:$0x3FAC] =	sst s0  }
0x9: {  	[smem:$0x3FAD] =	sst s1  }
0xa: {  	[smem:$0x3FAE] =	sst s2  }
0xb: {  	[smem:$0x3FAF] =	sst s3  }
0xc: {  	[smem:$0x3FB0] =	sst s4  }
0xd: {  	[smem:$0x3FB1] =	sst s5  }
0xe: {  	[smem:$0x3FB2] =	sst s6  }
0xf: {  	[smem:$0x3FB3] =	sst s7  }
0x10: {  	[smem:$0x3FB4] =	sst s8  }
0x11: {  	[smem:$0x3FB5] =	sst s9;
	s0 =	simm.s32 @!p0 $0x0  }
0x12: {  	s1 =	sld [smem:$0x3F9B];
	s0 =	simm.s32 @p0 $0x1  }
0x13: {  	[smem:$0x3FB6] =	sst s0;
	s0 =	simm.s32 @!p1 $0x0  }
0x14: {  	s2 =	sld [smem:$0x3F9A];
	s0 =	simm.s32 @p1 $0x1  }
0x15: {  	[smem:$0x3FB7] =	sst s0;
	s0 =	simm.s32 @!p2 $0x0  }
0x16: {  	s3 =	sld [smem:$0x3FDB];
	s0 =	simm.s32 @p2 $0x1  }
0x17: {  	s4 =	simm.s32 $0x1BF5;
	[smem:$0x3FB9] =	sst s0  }
0x18: {  	s0 =	sld [smem:$0x3F9C];
	_ =	swait.ge [sflag:s4], $0x0  }
0x19: {  	s7 =	sld [smem:$0x3F9D]  }
0x1a: {  	s8 =	sadd.s32 $0xFFFFE003, lr  }
0x1b: {  	s9 =	sadd.s32 $0xFFFFFEF7, lr;
	s5 =	simm.s32 $0xFFFFFFFF;
	p2 =	slt.u32 s8, $0xFFFFF086  }
0x1c: {  	p1 =	slt.u32 s9, $0xF7A;
	s5 =	simm.s32 @!p2 $0x0  }
0x1d: {  	s5 =	simm.s32 @p1 $0x1;
	p0 =	seq.s32 s7, s2  }
0x1e: {  	s7 =	smul.u32 @!p0 $0xF7A, s2;
	p2 =	seq.s32 @!p0 s5, $0x0  }
0x1f: {  	s9 =	smul.u32 $0xF7A, s1;
	s8 =	simm.s32 @!p0 $0x1BF5;
	p2 =	por !p2, p0  }
0x20: {  	[sflag:s8] =	ssyncset.s32 @!p0 $0xFFFFF086;
	s6 =	sadd.s32 @!p0 s3, s7;
	s7 =	simm.s32 @!p0 $0x108  }
0x21: {  	s3 =	sadd.s32 s3, s9;
	s6 =	sadd.s32 @!p0 $0x88, s6;
	s7 =	simm.s32 @p2 $0x1082  }
0x22: {  	[simem:s7], [sflag:s8] =	dma.local @!p0 [hbm:s6], $0xF7A  }
0x23: {  	s9 =	sor.u32 $0xD0000000, s2;
	s6 =	simm.s32 $0x108;
	_ =	swait.ge @!p0 [sflag:s8], $0x0  }
0x24: {  	s3 =	sadd.s32 $0x88, s3;
	s6 =	simm.s32 @!p1 $0x1082;
	[sflag:s4] =	ssyncset.s32 $0xFFFFF086  }
0x25: {  	[simem:s6], [sflag:s4] =	dma.local [hbm:s3], $0xF7A  }
0x26: {  	[smem:$0x3F9D] =	sst s1;
	(tag) =	ssettag s2;
	_ =	strace s9  }
0x27: {  	s1 =	sld [smem:$0x3FAD]  }
0x28: {  	s2 =	sld [smem:$0x3FAE]  }
0x29: {  	s4 =	sld [smem:$0x3FB0]  }
0x2a: {  	p0 =	seq.s32 s5, $0x0;
	s5 =	sld [smem:$0x3FB1]  }
0x2b: {  	s6 =	sld [smem:$0x3FB2]  }
0x2c: {  	s7 =	sld [smem:$0x3FB3]  }
0x2d: {  	s3 =	simm.s32 $0x108;
	s8 =	sld [smem:$0x3FB4]  }
0x2e: {  	s3 =	simm.s32 @!p0 $0x1082;
	s9 =	sld [smem:$0x3FB5]  }
0x2f: {  	lr =	sadd.s32 s0, s3;
	s0 =	sld [smem:$0x3FAC]  }
0x30: {  	s3 =	sld [smem:$0x3FAF]  }
0x31: {  	[smem:$0x3FB8] =	sst s10  }
0x32: {  	s10 =	sld [smem:$0x3FB6];
	_ =	sdelay $0x3  }
0x33: {  	p0 =	seq.s32 s10, $0x1;
	s10 =	sld [smem:$0x3FB8];
	_ =	sdelay $0x3  }
0x34: {  	[smem:$0x3FB8] =	sst s10  }
0x35: {  	s10 =	sld [smem:$0x3FB7];
	_ =	sdelay $0x3  }
0x36: {  	p1 =	seq.s32 s10, $0x1;
	s10 =	sld [smem:$0x3FB8];
	_ =	sdelay $0x3  }
0x37: {  	[smem:$0x3FB8] =	sst s10  }
0x38: {  	s10 =	sld [smem:$0x3FB9]  }
0x39: {  	_ = 	snop;
	(pc) =	sbr.ind lr, $3  }
0x3a: {  	_ = 	snop  }
0x3b: {  	_ = 	snop  }
0x3c: {  	p2 =	seq.s32 s10, $0x1;
	s10 =	sld [smem:$0x3FB8]  }
0x3d: {  	_ =	shalt  }
0x3e: {  	_ =	shalt  }
0x3f: {  	_ =	shalt  }
0x40: {  	_ =	shalt  }
0x41: {  	_ =	shalt  }
0x42: {  	_ =	shalt  }
0x43: {  	_ =	shalt  }
0x44: {  	_ =	shalt  }
0x45: {  	_ =	shalt  }
0x46: {  	_ =	shalt  }
0x47: {  	_ =	shalt  }
0x48: {  	_ =	shalt  }
0x49: {  	_ =	shalt  }
0x4a: {  	_ =	shalt  }
0x4b: {  	_ =	shalt  }
0x4c: {  	_ =	shalt  }
0x4d: {  	_ =	shalt  }
0x4e: {  	_ =	shalt  }
0x4f: {  	_ =	shalt  }
0x50: {  	_ =	shalt  }
0x51: {  	_ =	shalt  }
0x52: {  	_ =	shalt  }
0x53: {  	_ =	shalt  }
0x54: {  	_ =	shalt  }
0x55: {  	_ =	shalt  }
0x56: {  	_ =	shalt  }
0x57: {  	_ =	shalt  }
0x58: {  	_ =	shalt  }
0x59: {  	_ =	shalt  }
0x5a: {  	_ =	shalt  }
0x5b: {  	_ =	shalt  }
0x5c: {  	_ =	shalt  }
0x5d: {  	_ =	shalt  }
0x5e: {  	_ =	shalt  }
0x5f: {  	_ =	shalt  }
0x60: {  	_ =	shalt  }
0x61: {  	_ =	shalt  }
0x62: {  	_ =	shalt  }
0x63: {  	_ =	shalt  }
0x64: {  	_ =	shalt  }
0x65: {  	_ =	shalt  }
0x66: {  	_ =	shalt  }
0x67: {  	_ =	shalt  }
0x68: {  	_ =	shalt  }
0x69: {  	_ =	shalt  }
0x6a: {  	_ =	shalt  }
0x6b: {  	_ =	shalt  }
0x6c: {  	_ =	shalt  }
0x6d: {  	_ =	shalt  }
0x6e: {  	_ =	shalt  }
0x6f: {  	_ =	shalt  }
0x70: {  	_ =	shalt  }
0x71: {  	_ =	shalt  }
0x72: {  	_ =	shalt  }
0x73: {  	_ =	shalt  }
0x74: {  	_ =	shalt  }
0x75: {  	_ =	shalt  }
0x76: {  	_ =	shalt  }
0x77: {  	_ =	shalt  }
0x78: {  	_ =	shalt  }
0x79: {  	_ =	shalt  }
0x7a: {  	_ =	shalt  }
0x7b: {  	_ =	shalt  }
0x7c: {  	_ =	shalt  }
0x7d: {  	_ =	shalt  }
0x7e: {  	_ =	shalt  }
0x7f: {  	_ =	shalt  }
0x80: {  	_ =	shalt  }
0x81: {  	_ =	shalt  }
0x82: {  	_ =	shalt  }
0x83: {  	_ =	shalt  }
0x84: {  	_ =	shalt  }
0x85: {  	_ =	shalt  }
0x86: {  	_ =	shalt  }
0x87: {  	_ =	shalt  }
.Lfunc_end0:
.L_simem_size_0:
called_computation_lowered:
.L_overlay_start_0:
0x88: {  	s2 =	sld [smem:$0x3FD9]  }
0x89: {  	s3 =	sld [smem:$0x3FFE];
	_ =	sdelay $0x1  }
0x8a: {  	s1 =	srdreg.scid  }
0x8b: {  	s0 =	sand.u32 $0x1, s1  }
0x8c: {  	s17 =	sshll.u32 s0, $0xA;
	s2 =	sadd.s32 s3, s2  }
0x8d: {  	s2 =	sadd.s32 s2, s17  }
0x8e: {  	[smem:$0x3FC4] =	sst s2  }
0x8f: {  	_ = 	snop  }
0x90: {  	s2 =	sld [smem:$0x3FD0];
	(tm) =	ssettm $0x1  }
0x91: {  	s18 =	sld [smem:$0x3FFB];
	_ =	sdelay $0x3  }
0x92: {  	_ =	strace s18  }
0x93: {  	s3 =	sld [smem:$0x3FFC];
	_ =	sdelay $0x3  }
0x94: {  	_ =	strace s3  }
0x95: {  	s3 =	sld [smem:$0x3FFD];
	_ =	sdelay $0x3  }
0x96: {  	_ =	strace s3  }
0x97: {  	_ =	strace $0x8FFFFFFF  }
0x98: {  	s19 =	sld [smem:$0x3FDB];
	_ =	sdelay $0x1  }
0x99: {  	s4 =	simm.s32 $_scs_section_size  }
0x9a: {  	s5 =	simm.s32 $_size__tile_overlayer_lowered;
	s6 =	simm.s32 $_tile_overlayer_lowered  }
0x9b: {  	s22 =	simm.s32 $0x1BFF;
	s21 =	sshll.u32 s6, $0x1;
	s3 =	sadd.s32 s4, s19  }
0x9c: {  	s7 =	simm.s32 $0x0;
	s20 =	sshll.u32 s5, $0x1;
	s5 =	sadd.s32 s21, s3  }
0x9d: {  	[timem:s7], [sflag:s22] =	dma.local [hbm:s5], s20  }
0x9e: {  	_ =	swait.ge [sflag:s22], s20  }
0x9f: {  	s4 =	ssub.s32 $0x0, s20;
	[sflag:s22] =	ssyncset.done $0x0  }
0xa0: {  	[sflag:s22] =	ssyncadd.s32 s4;
	_ =	sdelay $0x1  }
0xa1: {  	s23 =	simm.s32 $0x1B8B  }
0xa2: {  	_ =	swait.ge [sflag:s23], $0x1  }
0xa3: {  	[sflag:s23] =	ssyncset.done $0x0  }
0xa4: {  	s25 =	simm.s32 $0x1B8E;
	s24 =	sld [smem:$0x3FFE];
	[sflag:s23] =	ssyncadd.s32 $0xFFFFFFFF  }
0xa5: {  	s26 =	simm.s32 $execute0_lowered;
	[smem:$0x3FD2] =	sst s25  }
0xa6: {  	s5 =	sshll.u32 s26, $0x1;
	_ =	strace $0x80000046;
	[dreg:$0x1] =	wrdreg $0xFFFFFFFF  }
0xa7: {  	s28 =	simm.s32 $_size_execute0_lowered;
	s3 =	sadd.s32 s3, s5;
	[dreg:$0x0] =	wrdreg $0x0  }
0xa8: {  	s5 =	sshll.u32 s28, $0x1;
	[dreg:$0x2] =	wrdreg s3  }
0xa9: {  	[dreg:$0x3] =	wrdreg s5  }
0xaa: {  	[dreg:$0x4] =	wrdreg $0xC0  }
0xab: {  	_ =	task [dreg:s7], $0x5FFFF  }
0xac: {  	[dreg:$0x1] =	wrdreg $0xFFFFFFFF  }
0xad: {  	[dreg:$0x0] =	wrdreg $0x60  }
0xae: {  	[dreg:$0x2] =	wrdreg s24  }
0xaf: {  	[dreg:$0x3] =	wrdreg s2  }
0xb0: {  	[dreg:$0x4] =	wrdreg $0x9  }
0xb1: {  	_ =	task.clear_ibuf [dreg:s7], $0x5FFFF;
	_ =	strace $0x90000046  }
0xb2: {  	s29 =	simm.s32 $0x9;
	_ =	strace $0x80000048  }
0xb3: {  	_ =	swait.ge [sflag:s29], $0x1  }
0xb4: {  	[sflag:s29] =	ssyncadd.s32 $0xFFFFFFFF  }
0xb5: {  	_ =	strace $0x90000048  }
0xb6: {  	_ =	sfence  }
0xb7: {  	s30 =	sld [smem:$0x0];
	_ =	sdelay $0x2  }
0xb8: {  	s31 =	sshll.u32 s1, $0xD;
	s1 =	sshrl.u32 s1, $0x2  }
0xb9: {  	s3 =	sand.u32 $0x4000, s31;
	s1 =	sadd.s32 s1, s30  }
0xba: {  	s0 =	sor.u32 s3, s0;
	s1 =	sshll.u32 s1, $0x11  }
0xbb: {  	s0 =	sor.u32 s1, s0  }
0xbc: {  	s0 =	sadd.s32 $0x8F2B, s0  }
0xbd: {  	[sflag:s0] =	ssyncadd.remote.s32 $0x1  }
0xbe: {  	_ =	sfence.sel $0xFFFF  }
0xbf: {  	[dreg:$0x0] =	wrdreg $0xFFFFFFFF;
	(pc) =	sbr.abs _section_cstart, $3  }
0xc0: {  	[dreg:$0x1] =	wrdreg $0xFFFFFFFF  }
0xc1: {  	_ =	task.clear_ibuf [dreg:s7], $0x2FFFF;
	_ =	strace $0x9FFFFFFF  }
0xc2: {  	(tm) =	ssettm $0x7FFFFFFF  }
0xc3: {  	_ =	shalt  }
tec
execute0_lowered:
.L_overlay_start_1:
0x0: {  	(tag) =	ssettag $0x1  }
0x1: {  	s0 =	rddreg [dreg:$0x0];
	s1 =	srdreg.scid  }
0x2: {  	s8 =	stileid.u32;
	s2 =	rddreg [dreg:$0x1]  }
0x3: {  	s3 =	simm.s32 $0x0;
	s12 =	simm.s32 $0x2800;
	s19 =	simm.s32 $0x6000  }
0x4: {  	s20 =	simm.s32 $0x6800;
	s21 =	simm.s32 $0x7000;
	s22 =	simm.s32 $0x7800  }
0x5: {  	s23 =	simm.s32 $0x8000;
	s24 =	simm.s32 $0x8800;
	s28 =	simm.s32 $0xA000  }
0x6: {  	s29 =	simm.s32 $0xA800;
	s9 =	simm.s32 $0x12800;
	s10 =	simm.s32 $0x6  }
0x7: {  	s11 =	simm.s32 $0x2;
	s30 =	simm.s32 $0x3;
	s1 =	sand.u32 $0x1, s1  }
0x8: {  	s4 =	sshll.u32 s8, $0x1;
	[smem:$0x7FF] =	sst s3;
	s8 =	sshll.u32 s8, $0x13  }
0x9: {  	s4 =	sor.u32 s1, s4;
	_ =	strace $0x80000047;
	s6 =	ssub.s32 $0x2, s1  }
0xa: {  	s1 =	sshll.u32 s1, $0x12;
	s5 =	smul.u32 $0x500, s4;
	s4 =	sadd.s32 $0xAA00, s0  }
0xb: {  	s7 =	sshrl.u32 s6, $0x1;
	s1 =	sor.u32 s1, s8;
	s8 =	simm.s32 $0x1  }
0xc: {  	s6 =	ssub.s32 s6, s7;
	s7 =	sadd.s32 $0xAB00, s0;
	s26 =	sor.u32 $0x8000, s1  }
.Ltmp0:
0xd: {  	[dreg:$0x4] =	wrdreg s1;
	s31 =	sor.u32 $0x10000, s1;
	(pc) =	sbr.rel .LBB2_1-.Ltmp0, $4  }
0xe: {  	s1 =	simm.s32 $0x0;
	s5 =	sadd.s32 s5, s0;
	[dreg:$0x6] =	wrdreg s26  }
0xf: {  	v2 =	vlaneseq.u32;
	s25 =	smax.u32 s6, $0x1;
	[dreg:$0x7] =	wrdreg s31;
	s26 =	simm.s32 $0x9800  }
0x10: {  	vm0 =	vmmov $0xffff;
	v1 =	vshrl.u32 v2, $0x3;
	s6 =	simm.s32 $0x5;
	s5 =	sadd.s32 $0xA00, s5;
	[dreg:$0x5] =	wrdreg s25  }
0x11: {  	v0 =	vand.u32 $0x7, v2;
	v2 =	vor.u32 $0x8, v2;
	v1 =	vmul.u32 $0x8, v1;
	s25 =	simm.s32 $0x9000;
	[dreg:$0x3] =	wrdreg s5;
	s5 =	simm.s32 $0x4  }
.LBB2_10:
0x12: {  	_ =	swait.ge [sflag:s5], $0x8000  }
0x13: {  	[sflag:s5] =	ssyncset.done $0x0  }
0x14: {  	[sflag:s5] =	ssyncadd.s32 $0xFFFF8000  }
0x15: {  	_ =	swait.ge [sflag:s10], $0x8000  }
0x16: {  	[sflag:s10] =	ssyncset.done $0x0  }
0x17: {  	[sflag:s10] =	ssyncadd.s32 $0xFFFF8000  }
0x18: {  	_ =	swait.ge [sflag:s6], $0x8000  }
0x19: {  	s1 =	rddreg [dreg:$0x8]  }
0x1a: {  	s0 =	rddreg [dreg:$0x5];
	s1 =	sadd.s32 $0x1, s1  }
0x1b: {  	p0 =	sne.s32 s1, s0  }
.Ltmp1:
0x1c: {  	_ = 	snop;
	(pc) =	sbr.rel @!p0 .LBB2_11-.Ltmp1, $3  }
0x1d: {  	_ =	sdelay $0x1  }
0x1e: {  	[sflag:s6] =	ssyncset.done $0x0  }
0x1f: {  	[sflag:s6] =	ssyncadd.s32 $0xFFFF8000  }
.LBB2_1:
0x20: {  	[dreg:$0x8] =	wrdreg s1  }
0x21: {  	s0 =	rddreg [dreg:$0x3];
	s18 =	simm.s32 $0x7  }
0x22: {  	[tilespmem:s3], [sflag:$0x7] =	stream.linear.gather [hbm4b:s0+s3], $0x2800, $0x38;
	[tilespmem:$0x1A800] =	vst v63  }
0x23: {  	_ =	swait.ge [sflag:s18], $0x2800  }
0x24: {  	[sflag:s18] =	ssyncset.done $0x0  }
0x25: {  	[sflag:s18] =	ssyncadd.s32 $0xFFFFD800  }
0x26: {  	v3 =	vld [tilespmem:$0x0];
	_ =	sdelay $0x4  }
0x27: {  	v4 =	vshll.u32 v3, $0x2  }
0x28: {  	v3 =	vand.u32 $0x7, v3;
	v4 =	vand.u32 $0xFFFFFFE0, v4  }
0x29: {  	v3 =	vor.u32 v3, v4  }
0x2a: {  	v4 =	vperm.xlane v3, v0;
	_ =	sdelay $0x1  }
0x2b: {  	v4 =	vadd.s32 v1, v4;
	_ =	sdelay $0x1  }
0x2c: {  	v3 =	vperm.xlane v3, v2;
	_ =	sdelay $0x1  }
0x2d: {  	v3 =	vadd.s32 v1, v3  }
0x2e: {  	[tilespmem:s12], [sflag:$0x1] =	stream.indirect_vreg.gather [hbm4b:s4+s3], $0x80, v4, vm0, $0xb8;
	[tilespmem:$0x1A800] =	vst v63  }
0x2f: {  	s1 =	simm.s32 $0x3000  }
0x30: {  	[tilespmem:s1], [sflag:$0x1] =	stream.indirect_vreg.gather [hbm4b:s7+s3], $0x80, v4, vm0, $0xb8;
	[tilespmem:$0x1A800] =	vst v63  }
0x31: {  	s13 =	simm.s32 $0x3800  }
0x32: {  	[tilespmem:s13], [sflag:$0x1] =	stream.indirect_vreg.gather [hbm4b:s4+s3], $0x80, v3, vm0, $0xb8;
	[tilespmem:$0x1A800] =	vst v63  }
0x33: {  	s14 =	simm.s32 $0x4000  }
0x34: {  	[tilespmem:s14], [sflag:$0x1] =	stream.indirect_vreg.gather [hbm4b:s7+s3], $0x80, v3, vm0, $0xb8;
	[tilespmem:$0x1A800] =	vst v63  }
0x35: {  	v3 =	vld [tilespmem:$0x10];
	_ =	sdelay $0x4  }
0x36: {  	v57 =	vshll.u32 v3, $0x2  }
0x37: {  	v3 =	vand.u32 $0x7, v3;
	v4 =	vand.u32 $0xFFFFFFE0, v57  }
0x38: {  	v3 =	vor.u32 v3, v4  }
0x39: {  	v4 =	vperm.xlane v3, v0;
	_ =	sdelay $0x1  }
0x3a: {  	v4 =	vadd.s32 v1, v4;
	_ =	sdelay $0x1  }
0x3b: {  	v3 =	vperm.xlane v3, v2;
	_ =	sdelay $0x1  }
0x3c: {  	s15 =	simm.s32 $0x4800;
	v3 =	vadd.s32 v1, v3  }
0x3d: {  	[tilespmem:s15], [sflag:$0x1] =	stream.indirect_vreg.gather [hbm4b:s4+s3], $0x80, v4, vm0, $0xb8;
	[tilespmem:$0x1A800] =	vst v63  }
0x3e: {  	s16 =	simm.s32 $0x5000  }
0x3f: {  	[tilespmem:s16], [sflag:$0x1] =	stream.indirect_vreg.gather [hbm4b:s7+s3], $0x80, v4, vm0, $0xb8;
	[tilespmem:$0x1A800] =	vst v63  }
0x40: {  	s17 =	simm.s32 $0x5800  }
0x41: {  	[tilespmem:s17], [sflag:$0x1] =	stream.indirect_vreg.gather [hbm4b:s4+s3], $0x80, v3, vm0, $0xb8;
	[tilespmem:$0x1A800] =	vst v63  }
0x42: {  	_ = 	snop  }
0x43: {  	[tilespmem:s19], [sflag:$0x1] =	stream.indirect_vreg.gather [hbm4b:s7+s3], $0x80, v3, vm0, $0xb8;
	[tilespmem:$0x1A800] =	vst v63  }
0x44: {  	v3 =	vld [tilespmem:$0x20];
	_ =	sdelay $0x4  }
0x45: {  	v58 =	vshll.u32 v3, $0x2  }
0x46: {  	v3 =	vand.u32 $0x7, v3;
	v4 =	vand.u32 $0xFFFFFFE0, v58  }
0x47: {  	v3 =	vor.u32 v3, v4  }
0x48: {  	v4 =	vperm.xlane v3, v0;
	_ =	sdelay $0x1  }
0x49: {  	v4 =	vadd.s32 v1, v4;
	_ =	sdelay $0x1  }
0x4a: {  	v3 =	vperm.xlane v3, v2;
	_ =	sdelay $0x1  }
0x4b: {  	v3 =	vadd.s32 v1, v3  }
0x4c: {  	[tilespmem:s20], [sflag:$0x1] =	stream.indirect_vreg.gather [hbm4b:s4+s3], $0x80, v4, vm0, $0xb8;
	[tilespmem:$0x1A800] =	vst v63  }
0x4d: {  	_ = 	snop  }
0x4e: {  	[tilespmem:s21], [sflag:$0x1] =	stream.indirect_vreg.gather [hbm4b:s7+s3], $0x80, v4, vm0, $0xb8;
	[tilespmem:$0x1A800] =	vst v63  }
0x4f: {  	_ = 	snop  }
0x50: {  	[tilespmem:s22], [sflag:$0x1] =	stream.indirect_vreg.gather [hbm4b:s4+s3], $0x80, v3, vm0, $0xb8;
	[tilespmem:$0x1A800] =	vst v63  }
0x51: {  	_ = 	snop  }
0x52: {  	[tilespmem:s23], [sflag:$0x1] =	stream.indirect_vreg.gather [hbm4b:s7+s3], $0x80, v3, vm0, $0xb8;
	[tilespmem:$0x1A800] =	vst v63  }
0x53: {  	v3 =	vld [tilespmem:$0x30];
	_ =	sdelay $0x4  }
0x54: {  	v59 =	vshll.u32 v3, $0x2  }
0x55: {  	v3 =	vand.u32 $0x7, v3;
	v4 =	vand.u32 $0xFFFFFFE0, v59  }
0x56: {  	v3 =	vor.u32 v3, v4  }
0x57: {  	v4 =	vperm.xlane v3, v0;
	_ =	sdelay $0x1  }
0x58: {  	v4 =	vadd.s32 v1, v4;
	_ =	sdelay $0x1  }
0x59: {  	v3 =	vperm.xlane v3, v2;
	_ =	sdelay $0x1  }
0x5a: {  	v3 =	vadd.s32 v1, v3  }
0x5b: {  	[tilespmem:s24], [sflag:$0x1] =	stream.indirect_vreg.gather [hbm4b:s4+s3], $0x80, v4, vm0, $0xb8;
	[tilespmem:$0x1A800] =	vst v63  }
0x5c: {  	_ = 	snop  }
0x5d: {  	[tilespmem:s25], [sflag:$0x1] =	stream.indirect_vreg.gather [hbm4b:s7+s3], $0x80, v4, vm0, $0xb8;
	[tilespmem:$0x1A800] =	vst v63  }
0x5e: {  	_ = 	snop  }
0x5f: {  	[tilespmem:s26], [sflag:$0x1] =	stream.indirect_vreg.gather [hbm4b:s4+s3], $0x80, v3, vm0, $0xb8;
	[tilespmem:$0x1A800] =	vst v63  }
0x60: {  	_ = 	snop  }
0x61: {  	[tilespmem:s28], [sflag:$0x1] =	stream.indirect_vreg.gather [hbm4b:s7+s3], $0x80, v3, vm0, $0xb8;
	[tilespmem:$0x1A800] =	vst v63  }
0x62: {  	v3 =	vld [tilespmem:$0x40];
	_ =	sdelay $0x4  }
0x63: {  	v60 =	vshll.u32 v3, $0x2  }
0x64: {  	v3 =	vand.u32 $0x7, v3;
	v4 =	vand.u32 $0xFFFFFFE0, v60  }
0x65: {  	v3 =	vor.u32 v3, v4  }
0x66: {  	v4 =	vperm.xlane v3, v0;
	_ =	sdelay $0x1  }
0x67: {  	v4 =	vadd.s32 v1, v4;
	_ =	sdelay $0x1  }
0x68: {  	v3 =	vperm.xlane v3, v2;
	_ =	sdelay $0x1  }
0x69: {  	v3 =	vadd.s32 v1, v3  }
0x6a: {  	[tilespmem:s29], [sflag:$0x2] =	stream.indirect_vreg.gather [hbm4b:s4+s3], $0x80, v4, vm0, $0xb8;
	[tilespmem:$0x1A800] =	vst v63  }
0x6b: {  	s18 =	simm.s32 $0xB000  }
0x6c: {  	[tilespmem:s18], [sflag:$0x2] =	stream.indirect_vreg.gather [hbm4b:s7+s3], $0x80, v4, vm0, $0xb8;
	[tilespmem:$0x1A800] =	vst v63  }
0x6d: {  	s1 =	simm.s32 $0xB800  }
0x6e: {  	[tilespmem:s1], [sflag:$0x2] =	stream.indirect_vreg.gather [hbm4b:s4+s3], $0x80, v3, vm0, $0xb8;
	[tilespmem:$0x1A800] =	vst v63  }
0x6f: {  	s13 =	simm.s32 $0xC000  }
0x70: {  	[tilespmem:s13], [sflag:$0x2] =	stream.indirect_vreg.gather [hbm4b:s7+s3], $0x80, v3, vm0, $0xb8;
	[tilespmem:$0x1A800] =	vst v63  }
0x71: {  	v3 =	vld [tilespmem:$0x50];
	_ =	sdelay $0x4  }
0x72: {  	v61 =	vshll.u32 v3, $0x2  }
0x73: {  	v3 =	vand.u32 $0x7, v3;
	v4 =	vand.u32 $0xFFFFFFE0, v61  }
0x74: {  	v3 =	vor.u32 v3, v4  }
0x75: {  	v4 =	vperm.xlane v3, v0;
	_ =	sdelay $0x1  }
0x76: {  	v4 =	vadd.s32 v1, v4;
	_ =	sdelay $0x1  }
0x77: {  	v3 =	vperm.xlane v3, v2;
	_ =	sdelay $0x1  }
0x78: {  	s14 =	simm.s32 $0xC800;
	v3 =	vadd.s32 v1, v3  }
0x79: {  	[tilespmem:s14], [sflag:$0x2] =	stream.indirect_vreg.gather [hbm4b:s4+s3], $0x80, v4, vm0, $0xb8;
	[tilespmem:$0x1A800] =	vst v63  }
0x7a: {  	s15 =	simm.s32 $0xD000  }
0x7b: {  	[tilespmem:s15], [sflag:$0x2] =	stream.indirect_vreg.gather [hbm4b:s7+s3], $0x80, v4, vm0, $0xb8;
	[tilespmem:$0x1A800] =	vst v63  }
0x7c: {  	s16 =	simm.s32 $0xD800  }
0x7d: {  	[tilespmem:s16], [sflag:$0x2] =	stream.indirect_vreg.gather [hbm4b:s4+s3], $0x80, v3, vm0, $0xb8;
	[tilespmem:$0x1A800] =	vst v63  }
0x7e: {  	s17 =	simm.s32 $0xE000  }
0x7f: {  	[tilespmem:s17], [sflag:$0x2] =	stream.indirect_vreg.gather [hbm4b:s7+s3], $0x80, v3, vm0, $0xb8;
	[tilespmem:$0x1A800] =	vst v63  }
0x80: {  	v3 =	vld [tilespmem:$0x60];
	_ =	sdelay $0x4  }
0x81: {  	v62 =	vshll.u32 v3, $0x2  }
0x82: {  	v3 =	vand.u32 $0x7, v3;
	v4 =	vand.u32 $0xFFFFFFE0, v62  }
0x83: {  	v3 =	vor.u32 v3, v4  }
0x84: {  	v4 =	vperm.xlane v3, v0;
	_ =	sdelay $0x1  }
0x85: {  	v4 =	vadd.s32 v1, v4;
	_ =	sdelay $0x1  }
0x86: {  	v3 =	vperm.xlane v3, v2;
	_ =	sdelay $0x1  }
0x87: {  	s18 =	simm.s32 $0xE800;
	v3 =	vadd.s32 v1, v3  }
0x88: {  	[tilespmem:s18], [sflag:$0x2] =	stream.indirect_vreg.gather [hbm4b:s4+s3], $0x80, v4, vm0, $0xb8;
	[tilespmem:$0x1A800] =	vst v63  }
0x89: {  	s1 =	simm.s32 $0xF000  }
0x8a: {  	[tilespmem:s1], [sflag:$0x2] =	stream.indirect_vreg.gather [hbm4b:s7+s3], $0x80, v4, vm0, $0xb8;
	[tilespmem:$0x1A800] =	vst v63  }
0x8b: {  	s13 =	simm.s32 $0xF800  }
0x8c: {  	[tilespmem:s13], [sflag:$0x2] =	stream.indirect_vreg.gather [hbm4b:s4+s3], $0x80, v3, vm0, $0xb8;
	[tilespmem:$0x1A800] =	vst v63  }
0x8d: {  	s14 =	simm.s32 $0x10000  }
0x8e: {  	[tilespmem:s14], [sflag:$0x2] =	stream.indirect_vreg.gather [hbm4b:s7+s3], $0x80, v3, vm0, $0xb8;
	[tilespmem:$0x1A800] =	vst v63  }
0x8f: {  	v3 =	vld [tilespmem:$0x70];
	_ =	sdelay $0x4  }
0x90: {  	v63 =	vshll.u32 v3, $0x2  }
0x91: {  	v3 =	vand.u32 $0x7, v3;
	v4 =	vand.u32 $0xFFFFFFE0, v63  }
0x92: {  	v3 =	vor.u32 v3, v4  }
0x93: {  	v4 =	vperm.xlane v3, v0;
	_ =	sdelay $0x1  }
0x94: {  	v4 =	vadd.s32 v1, v4;
	_ =	sdelay $0x2  }
0x95: {  	v3 =	vperm.xlane v3, v2  }
0x96: {  	s15 =	simm.s32 $0x10800  }
0x97: {  	v3 =	vadd.s32 v1, v3;
	[tilespmem:s15], [sflag:$0x2] =	stream.indirect_vreg.gather [hbm4b:s4+s3], $0x80, v4, vm0, $0xb8;
	[tilespmem:$0x1A800] =	vst v63  }
0x98: {  	s0 =	simm.s32 $0x2;
	s31 =	rddreg [dreg:$0x7];
	s16 =	simm.s32 $0x11000  }
0x99: {  	[tilespmem:s16], [sflag:$0x2] =	stream.indirect_vreg.gather [hbm4b:s7+s3], $0x80, v4, vm0, $0xb8;
	[tilespmem:$0x1A800] =	vst v63  }
.Ltmp2:
0x9a: {  	s17 =	simm.s32 $0x11800;
	s18 =	simm.s32 $0x12000;
	(pc) =	sbr.rel .LBB2_2-.Ltmp2, $4  }
0x9b: {  	s1 =	simm.s32 $0xA0;
	s13 =	simm.s32 $0x1;
	s14 =	rddreg [dreg:$0x6]  }
0x9c: {  	[tilespmem:s17], [sflag:$0x2] =	stream.indirect_vreg.gather [hbm4b:s4+s3], $0x80, v3, vm0, $0xb8;
	[tilespmem:$0x1A800] =	vst v63  }
0x9d: {  	s15 =	simm.s32 $0x0;
	s16 =	rddreg [dreg:$0x4];
	s17 =	simm.s32 $0x0  }
0x9e: {  	[tilespmem:s18], [sflag:$0x2] =	stream.indirect_vreg.gather [hbm4b:s7+s3], $0x80, v3, vm0, $0xb8;
	[tilespmem:$0x1A800] =	vst v63  }
.LBB2_9:
0x9f: {  	s18 =	sshrl.u32 s0, $0x3;
	s15 =	sadd.s32 $0x3, s15  }
0xa0: {  	s18 =	smul.u32 $0x7C0000, s18;
	p0 =	sne.s32 s15, $0xA2  }
.Ltmp3:
0xa1: {  	s17 =	sadd.s32 $0x1, s17;
	(pc) =	sbr.rel @!p0 .LBB2_10-.Ltmp3, $4  }
0xa2: {  	s16 =	sadd.s32 $0x18000, s16;
	s14 =	sadd.s32 $0x18000, s14;
	s18 =	sadd.s32 s18, s31  }
0xa3: {  	s13 =	sadd.s32 $0x3, s13;
	s1 =	sadd.s32 $0xC0, s1;
	s18 =	sshrl.u32 s18, $0x3  }
0xa4: {  	s0 =	sadd.s32 $0x3, s0;
	s31 =	sadd.s32 $0x18000, s31;
	s18 =	sadd.s32 s2, s18  }
0xa5: {  	[hbm4b:s18+s3] =	stream.linear.scatter [tilespmem:s9], [sflag:$0x6], $0x8000, $0x38;
	[tilespmem:$0x1A800] =	vst v63  }
.LBB2_2:
0xa6: {  	p0 =	seq.s32 s17, $0x0  }
.Ltmp4:
0xa7: {  	_ = 	snop;
	(pc) =	sbr.rel @p0 .LBB2_5-.Ltmp4, $4  }
0xa8: {  	_ = 	snop  }
0xa9: {  	_ =	swait.ge [sflag:s8], $0x8000  }
0xaa: {  	[sflag:s8] =	ssyncset.done $0x0  }
0xab: {  	[sflag:s8] =	ssyncadd.s32 $0xFFFF8000  }
0xac: {  	p0 =	seq.s32 s17, $0x35  }
.Ltmp5:
0xad: {  	_ = 	snop;
	(pc) =	sbr.rel @p0 .LBB2_6-.Ltmp5, $1  }
0xae: {  	_ =	sdelay $0x3  }
0xaf: {  	_ =	swait.ge [sflag:s10], $0x8000  }
0xb0: {  	[sflag:s10] =	ssyncset.done $0x0  }
0xb1: {  	[sflag:s10] =	ssyncadd.s32 $0xFFFF8000  }
.LBB2_5:
0xb2: {  	v3 =	vld [tilespmem:s1+$0xFFFFFFE0];
	_ =	sdelay $0x4  }
0xb3: {  	v4 =	vshll.u32 v3, $0x2  }
0xb4: {  	v3 =	vand.u32 $0x7, v3;
	v4 =	vand.u32 $0xFFFFFFE0, v4  }
0xb5: {  	v3 =	vor.u32 v3, v4  }
0xb6: {  	v4 =	vperm.xlane v3, v0;
	_ =	sdelay $0x1  }
0xb7: {  	v4 =	vadd.s32 v1, v4;
	_ =	sdelay $0x1  }
0xb8: {  	v3 =	vperm.xlane v3, v2;
	_ =	sdelay $0x1  }
0xb9: {  	v3 =	vadd.s32 v1, v3  }
0xba: {  	[tilespmem:s9], [sflag:$0x3] =	stream.indirect_vreg.gather [hbm4b:s4+s3], $0x80, v4, vm0, $0xb8;
	[tilespmem:$0x1A800] =	vst v63  }
0xbb: {  	s18 =	simm.s32 $0x13000  }
0xbc: {  	[tilespmem:s18], [sflag:$0x3] =	stream.indirect_vreg.gather [hbm4b:s7+s3], $0x80, v4, vm0, $0xb8;
	[tilespmem:$0x1A800] =	vst v63  }
0xbd: {  	s18 =	simm.s32 $0x13800  }
0xbe: {  	[tilespmem:s18], [sflag:$0x3] =	stream.indirect_vreg.gather [hbm4b:s4+s3], $0x80, v3, vm0, $0xb8;
	[tilespmem:$0x1A800] =	vst v63  }
0xbf: {  	s18 =	simm.s32 $0x14000  }
0xc0: {  	[tilespmem:s18], [sflag:$0x3] =	stream.indirect_vreg.gather [hbm4b:s7+s3], $0x80, v3, vm0, $0xb8;
	[tilespmem:$0x1A800] =	vst v63  }
0xc1: {  	v3 =	vld [tilespmem:s1+$0xFFFFFFF0];
	_ =	sdelay $0x4  }
0xc2: {  	v61 =	vshll.u32 v3, $0x2  }
0xc3: {  	v3 =	vand.u32 $0x7, v3;
	v4 =	vand.u32 $0xFFFFFFE0, v61  }
0xc4: {  	v3 =	vor.u32 v3, v4  }
0xc5: {  	v4 =	vperm.xlane v3, v0;
	_ =	sdelay $0x1  }
0xc6: {  	v4 =	vadd.s32 v1, v4;
	_ =	sdelay $0x1  }
0xc7: {  	v3 =	vperm.xlane v3, v2;
	_ =	sdelay $0x1  }
0xc8: {  	s18 =	simm.s32 $0x14800;
	v3 =	vadd.s32 v1, v3  }
0xc9: {  	[tilespmem:s18], [sflag:$0x3] =	stream.indirect_vreg.gather [hbm4b:s4+s3], $0x80, v4, vm0, $0xb8;
	[tilespmem:$0x1A800] =	vst v63  }
0xca: {  	s18 =	simm.s32 $0x15000  }
0xcb: {  	[tilespmem:s18], [sflag:$0x3] =	stream.indirect_vreg.gather [hbm4b:s7+s3], $0x80, v4, vm0, $0xb8;
	[tilespmem:$0x1A800] =	vst v63  }
0xcc: {  	s18 =	simm.s32 $0x15800  }
0xcd: {  	[tilespmem:s18], [sflag:$0x3] =	stream.indirect_vreg.gather [hbm4b:s4+s3], $0x80, v3, vm0, $0xb8;
	[tilespmem:$0x1A800] =	vst v63  }
0xce: {  	s18 =	simm.s32 $0x16000  }
0xcf: {  	[tilespmem:s18], [sflag:$0x3] =	stream.indirect_vreg.gather [hbm4b:s7+s3], $0x80, v3, vm0, $0xb8;
	[tilespmem:$0x1A800] =	vst v63  }
0xd0: {  	v3 =	vld [tilespmem:s1+$0x0];
	_ =	sdelay $0x4  }
0xd1: {  	v62 =	vshll.u32 v3, $0x2  }
0xd2: {  	v3 =	vand.u32 $0x7, v3;
	v4 =	vand.u32 $0xFFFFFFE0, v62  }
0xd3: {  	v3 =	vor.u32 v3, v4  }
0xd4: {  	v4 =	vperm.xlane v3, v0;
	_ =	sdelay $0x1  }
0xd5: {  	v4 =	vadd.s32 v1, v4;
	_ =	sdelay $0x1  }
0xd6: {  	v3 =	vperm.xlane v3, v2;
	_ =	sdelay $0x1  }
0xd7: {  	s18 =	simm.s32 $0x16800;
	v3 =	vadd.s32 v1, v3  }
0xd8: {  	[tilespmem:s18], [sflag:$0x3] =	stream.indirect_vreg.gather [hbm4b:s4+s3], $0x80, v4, vm0, $0xb8;
	[tilespmem:$0x1A800] =	vst v63  }
0xd9: {  	s18 =	simm.s32 $0x17000  }
0xda: {  	[tilespmem:s18], [sflag:$0x3] =	stream.indirect_vreg.gather [hbm4b:s7+s3], $0x80, v4, vm0, $0xb8;
	[tilespmem:$0x1A800] =	vst v63  }
0xdb: {  	s18 =	simm.s32 $0x17800  }
0xdc: {  	[tilespmem:s18], [sflag:$0x3] =	stream.indirect_vreg.gather [hbm4b:s4+s3], $0x80, v3, vm0, $0xb8;
	[tilespmem:$0x1A800] =	vst v63  }
0xdd: {  	s18 =	simm.s32 $0x18000  }
0xde: {  	[tilespmem:s18], [sflag:$0x3] =	stream.indirect_vreg.gather [hbm4b:s7+s3], $0x80, v3, vm0, $0xb8;
	[tilespmem:$0x1A800] =	vst v63  }
0xdf: {  	v3 =	vld [tilespmem:s1+$0x10];
	_ =	sdelay $0x4  }
0xe0: {  	v63 =	vshll.u32 v3, $0x2  }
0xe1: {  	v3 =	vand.u32 $0x7, v3;
	v4 =	vand.u32 $0xFFFFFFE0, v63  }
0xe2: {  	v3 =	vor.u32 v3, v4  }
0xe3: {  	v4 =	vperm.xlane v3, v0;
	_ =	sdelay $0x1  }
0xe4: {  	v4 =	vadd.s32 v1, v4;
	_ =	sdelay $0x1  }
0xe5: {  	v3 =	vperm.xlane v3, v2;
	_ =	sdelay $0x1  }
0xe6: {  	s18 =	simm.s32 $0x18800;
	v3 =	vadd.s32 v1, v3  }
0xe7: {  	[tilespmem:s18], [sflag:$0x3] =	stream.indirect_vreg.gather [hbm4b:s4+s3], $0x80, v4, vm0, $0xb8;
	[tilespmem:$0x1A800] =	vst v63  }
0xe8: {  	s18 =	simm.s32 $0x19000  }
0xe9: {  	[tilespmem:s18], [sflag:$0x3] =	stream.indirect_vreg.gather [hbm4b:s7+s3], $0x80, v4, vm0, $0xb8;
	[tilespmem:$0x1A800] =	vst v63  }
0xea: {  	s18 =	simm.s32 $0x19800  }
0xeb: {  	[tilespmem:s18], [sflag:$0x3] =	stream.indirect_vreg.gather [hbm4b:s4+s3], $0x80, v3, vm0, $0xb8;
	[tilespmem:$0x1A800] =	vst v63  }
0xec: {  	s18 =	simm.s32 $0x1A000  }
0xed: {  	[tilespmem:s18], [sflag:$0x3] =	stream.indirect_vreg.gather [hbm4b:s7+s3], $0x80, v3, vm0, $0xb8;
	[tilespmem:$0x1A800] =	vst v63  }
.LBB2_6:
0xee: {  	s18 =	sshrl.u32 s15, $0x3  }
0xef: {  	p0 =	seq.s32 s15, $0x9F;
	s18 =	smul.u32 $0x7C0000, s18  }
.Ltmp6:
0xf0: {  	_ = 	snop;
	(pc) =	sbr.rel @p0 .LBB2_10-.Ltmp6, $4  }
0xf1: {  	s18 =	sadd.s32 s18, s16  }
0xf2: {  	s18 =	sshrl.u32 s18, $0x3  }
0xf3: {  	s18 =	sadd.s32 s2, s18  }
0xf4: {  	[hbm4b:s18+s3] =	stream.linear.scatter [tilespmem:s12], [sflag:$0x4], $0x8000, $0x38;
	[tilespmem:$0x1A800] =	vst v63  }
0xf5: {  	_ =	swait.ge [sflag:s11], $0x8000  }
0xf6: {  	[sflag:s11] =	ssyncset.done $0x0  }
0xf7: {  	[sflag:s11] =	ssyncadd.s32 $0xFFFF8000  }
0xf8: {  	_ =	swait.ge [sflag:s5], $0x8000  }
0xf9: {  	[sflag:s5] =	ssyncset.done $0x0  }
0xfa: {  	[sflag:s5] =	ssyncadd.s32 $0xFFFF8000  }
0xfb: {  	v3 =	vld [tilespmem:s1+$0x20];
	_ =	sdelay $0x4  }
0xfc: {  	v4 =	vshll.u32 v3, $0x2  }
0xfd: {  	v3 =	vand.u32 $0x7, v3;
	v4 =	vand.u32 $0xFFFFFFE0, v4  }
0xfe: {  	v3 =	vor.u32 v3, v4  }
0xff: {  	v4 =	vperm.xlane v3, v0;
	_ =	sdelay $0x1  }
0x100: {  	v4 =	vadd.s32 v1, v4;
	_ =	sdelay $0x1  }
0x101: {  	v3 =	vperm.xlane v3, v2;
	_ =	sdelay $0x1  }
0x102: {  	v3 =	vadd.s32 v1, v3  }
0x103: {  	[tilespmem:s12], [sflag:$0x1] =	stream.indirect_vreg.gather [hbm4b:s4+s3], $0x80, v4, vm0, $0xb8;
	[tilespmem:$0x1A800] =	vst v63  }
0x104: {  	s18 =	simm.s32 $0x3000  }
0x105: {  	[tilespmem:s18], [sflag:$0x1] =	stream.indirect_vreg.gather [hbm4b:s7+s3], $0x80, v4, vm0, $0xb8;
	[tilespmem:$0x1A800] =	vst v63  }
0x106: {  	s18 =	simm.s32 $0x3800  }
0x107: {  	[tilespmem:s18], [sflag:$0x1] =	stream.indirect_vreg.gather [hbm4b:s4+s3], $0x80, v3, vm0, $0xb8;
	[tilespmem:$0x1A800] =	vst v63  }
0x108: {  	s18 =	simm.s32 $0x4000  }
0x109: {  	[tilespmem:s18], [sflag:$0x1] =	stream.indirect_vreg.gather [hbm4b:s7+s3], $0x80, v3, vm0, $0xb8;
	[tilespmem:$0x1A800] =	vst v63  }
0x10a: {  	v3 =	vld [tilespmem:s1+$0x30];
	_ =	sdelay $0x4  }
0x10b: {  	v61 =	vshll.u32 v3, $0x2  }
0x10c: {  	v3 =	vand.u32 $0x7, v3;
	v4 =	vand.u32 $0xFFFFFFE0, v61  }
0x10d: {  	v3 =	vor.u32 v3, v4  }
0x10e: {  	v4 =	vperm.xlane v3, v0;
	_ =	sdelay $0x1  }
0x10f: {  	v4 =	vadd.s32 v1, v4;
	_ =	sdelay $0x1  }
0x110: {  	v3 =	vperm.xlane v3, v2;
	_ =	sdelay $0x1  }
0x111: {  	s18 =	simm.s32 $0x4800;
	v3 =	vadd.s32 v1, v3  }
0x112: {  	[tilespmem:s18], [sflag:$0x1] =	stream.indirect_vreg.gather [hbm4b:s4+s3], $0x80, v4, vm0, $0xb8;
	[tilespmem:$0x1A800] =	vst v63  }
0x113: {  	s18 =	simm.s32 $0x5000  }
0x114: {  	[tilespmem:s18], [sflag:$0x1] =	stream.indirect_vreg.gather [hbm4b:s7+s3], $0x80, v4, vm0, $0xb8;
	[tilespmem:$0x1A800] =	vst v63  }
0x115: {  	s18 =	simm.s32 $0x5800  }
0x116: {  	[tilespmem:s18], [sflag:$0x1] =	stream.indirect_vreg.gather [hbm4b:s4+s3], $0x80, v3, vm0, $0xb8;
	[tilespmem:$0x1A800] =	vst v63  }
0x117: {  	_ = 	snop  }
0x118: {  	[tilespmem:s19], [sflag:$0x1] =	stream.indirect_vreg.gather [hbm4b:s7+s3], $0x80, v3, vm0, $0xb8;
	[tilespmem:$0x1A800] =	vst v63  }
0x119: {  	v3 =	vld [tilespmem:s1+$0x40];
	_ =	sdelay $0x4  }
0x11a: {  	v62 =	vshll.u32 v3, $0x2  }
0x11b: {  	v3 =	vand.u32 $0x7, v3;
	v4 =	vand.u32 $0xFFFFFFE0, v62  }
0x11c: {  	v3 =	vor.u32 v3, v4  }
0x11d: {  	v4 =	vperm.xlane v3, v0;
	_ =	sdelay $0x1  }
0x11e: {  	v4 =	vadd.s32 v1, v4;
	_ =	sdelay $0x1  }
0x11f: {  	v3 =	vperm.xlane v3, v2;
	_ =	sdelay $0x1  }
0x120: {  	v3 =	vadd.s32 v1, v3  }
0x121: {  	[tilespmem:s20], [sflag:$0x1] =	stream.indirect_vreg.gather [hbm4b:s4+s3], $0x80, v4, vm0, $0xb8;
	[tilespmem:$0x1A800] =	vst v63  }
0x122: {  	_ = 	snop  }
0x123: {  	[tilespmem:s21], [sflag:$0x1] =	stream.indirect_vreg.gather [hbm4b:s7+s3], $0x80, v4, vm0, $0xb8;
	[tilespmem:$0x1A800] =	vst v63  }
0x124: {  	_ = 	snop  }
0x125: {  	[tilespmem:s22], [sflag:$0x1] =	stream.indirect_vreg.gather [hbm4b:s4+s3], $0x80, v3, vm0, $0xb8;
	[tilespmem:$0x1A800] =	vst v63  }
0x126: {  	_ = 	snop  }
0x127: {  	[tilespmem:s23], [sflag:$0x1] =	stream.indirect_vreg.gather [hbm4b:s7+s3], $0x80, v3, vm0, $0xb8;
	[tilespmem:$0x1A800] =	vst v63  }
0x128: {  	v3 =	vld [tilespmem:s1+$0x50];
	_ =	sdelay $0x4  }
0x129: {  	v63 =	vshll.u32 v3, $0x2  }
0x12a: {  	v3 =	vand.u32 $0x7, v3;
	v4 =	vand.u32 $0xFFFFFFE0, v63  }
0x12b: {  	v3 =	vor.u32 v3, v4  }
0x12c: {  	v4 =	vperm.xlane v3, v0;
	_ =	sdelay $0x1  }
0x12d: {  	v4 =	vadd.s32 v1, v4;
	_ =	sdelay $0x1  }
0x12e: {  	v3 =	vperm.xlane v3, v2;
	_ =	sdelay $0x1  }
0x12f: {  	s18 =	sshrl.u32 s13, $0x3;
	v3 =	vadd.s32 v1, v3  }
0x130: {  	[tilespmem:s24], [sflag:$0x1] =	stream.indirect_vreg.gather [hbm4b:s4+s3], $0x80, v4, vm0, $0xb8;
	[tilespmem:$0x1A800] =	vst v63  }
0x131: {  	s18 =	smul.u32 $0x7C0000, s18  }
0x132: {  	[tilespmem:s25], [sflag:$0x1] =	stream.indirect_vreg.gather [hbm4b:s7+s3], $0x80, v4, vm0, $0xb8;
	[tilespmem:$0x1A800] =	vst v63  }
0x133: {  	s18 =	sadd.s32 s18, s14  }
0x134: {  	[tilespmem:s26], [sflag:$0x1] =	stream.indirect_vreg.gather [hbm4b:s4+s3], $0x80, v3, vm0, $0xb8;
	[tilespmem:$0x1A800] =	vst v63  }
0x135: {  	p0 =	sgt.u32 s17, $0x33;
	s18 =	sshrl.u32 s18, $0x3  }
0x136: {  	[tilespmem:s28], [sflag:$0x1] =	stream.indirect_vreg.gather [hbm4b:s7+s3], $0x80, v3, vm0, $0xb8;
	[tilespmem:$0x1A800] =	vst v63  }
.Ltmp7:
0x137: {  	s18 =	sadd.s32 s2, s18;
	(pc) =	sbr.rel @p0 .LBB2_9-.Ltmp7, $4  }
0x138: {  	[hbm4b:s18+s3] =	stream.linear.scatter [tilespmem:s29], [sflag:$0x5], $0x8000, $0x38;
	[tilespmem:$0x1A800] =	vst v63  }
0x139: {  	_ =	swait.ge [sflag:s30], $0x8000  }
0x13a: {  	[sflag:s30] =	ssyncset.done $0x0  }
0x13b: {  	[sflag:s30] =	ssyncadd.s32 $0xFFFF8000  }
0x13c: {  	_ =	swait.ge [sflag:s6], $0x8000  }
0x13d: {  	[sflag:s6] =	ssyncset.done $0x0  }
0x13e: {  	[sflag:s6] =	ssyncadd.s32 $0xFFFF8000  }
0x13f: {  	v3 =	vld [tilespmem:s1+$0x60];
	_ =	sdelay $0x4  }
0x140: {  	v4 =	vshll.u32 v3, $0x2  }
0x141: {  	v3 =	vand.u32 $0x7, v3;
	v4 =	vand.u32 $0xFFFFFFE0, v4  }
0x142: {  	v3 =	vor.u32 v3, v4  }
0x143: {  	v4 =	vperm.xlane v3, v0;
	_ =	sdelay $0x1  }
0x144: {  	v4 =	vadd.s32 v1, v4;
	_ =	sdelay $0x1  }
0x145: {  	v3 =	vperm.xlane v3, v2;
	_ =	sdelay $0x1  }
0x146: {  	v3 =	vadd.s32 v1, v3  }
0x147: {  	[tilespmem:s29], [sflag:$0x2] =	stream.indirect_vreg.gather [hbm4b:s4+s3], $0x80, v4, vm0, $0xb8;
	[tilespmem:$0x1A800] =	vst v63  }
0x148: {  	s18 =	simm.s32 $0xB000  }
0x149: {  	[tilespmem:s18], [sflag:$0x2] =	stream.indirect_vreg.gather [hbm4b:s7+s3], $0x80, v4, vm0, $0xb8;
	[tilespmem:$0x1A800] =	vst v63  }
0x14a: {  	s18 =	simm.s32 $0xB800  }
0x14b: {  	[tilespmem:s18], [sflag:$0x2] =	stream.indirect_vreg.gather [hbm4b:s4+s3], $0x80, v3, vm0, $0xb8;
	[tilespmem:$0x1A800] =	vst v63  }
0x14c: {  	s18 =	simm.s32 $0xC000  }
0x14d: {  	[tilespmem:s18], [sflag:$0x2] =	stream.indirect_vreg.gather [hbm4b:s7+s3], $0x80, v3, vm0, $0xb8;
	[tilespmem:$0x1A800] =	vst v63  }
0x14e: {  	v3 =	vld [tilespmem:s1+$0x70];
	_ =	sdelay $0x4  }
0x14f: {  	v61 =	vshll.u32 v3, $0x2  }
0x150: {  	v3 =	vand.u32 $0x7, v3;
	v4 =	vand.u32 $0xFFFFFFE0, v61  }
0x151: {  	v3 =	vor.u32 v3, v4  }
0x152: {  	v4 =	vperm.xlane v3, v0;
	_ =	sdelay $0x1  }
0x153: {  	v4 =	vadd.s32 v1, v4;
	_ =	sdelay $0x1  }
0x154: {  	v3 =	vperm.xlane v3, v2;
	_ =	sdelay $0x1  }
0x155: {  	s18 =	simm.s32 $0xC800;
	v3 =	vadd.s32 v1, v3  }
0x156: {  	[tilespmem:s18], [sflag:$0x2] =	stream.indirect_vreg.gather [hbm4b:s4+s3], $0x80, v4, vm0, $0xb8;
	[tilespmem:$0x1A800] =	vst v63  }
0x157: {  	s18 =	simm.s32 $0xD000  }
0x158: {  	[tilespmem:s18], [sflag:$0x2] =	stream.indirect_vreg.gather [hbm4b:s7+s3], $0x80, v4, vm0, $0xb8;
	[tilespmem:$0x1A800] =	vst v63  }
0x159: {  	s18 =	simm.s32 $0xD800  }
0x15a: {  	[tilespmem:s18], [sflag:$0x2] =	stream.indirect_vreg.gather [hbm4b:s4+s3], $0x80, v3, vm0, $0xb8;
	[tilespmem:$0x1A800] =	vst v63  }
0x15b: {  	s18 =	simm.s32 $0xE000  }
0x15c: {  	[tilespmem:s18], [sflag:$0x2] =	stream.indirect_vreg.gather [hbm4b:s7+s3], $0x80, v3, vm0, $0xb8;
	[tilespmem:$0x1A800] =	vst v63  }
0x15d: {  	v3 =	vld [tilespmem:s1+$0x80];
	_ =	sdelay $0x4  }
0x15e: {  	v62 =	vshll.u32 v3, $0x2  }
0x15f: {  	v3 =	vand.u32 $0x7, v3;
	v4 =	vand.u32 $0xFFFFFFE0, v62  }
0x160: {  	v3 =	vor.u32 v3, v4  }
0x161: {  	v4 =	vperm.xlane v3, v0;
	_ =	sdelay $0x1  }
0x162: {  	v4 =	vadd.s32 v1, v4;
	_ =	sdelay $0x1  }
0x163: {  	v3 =	vperm.xlane v3, v2;
	_ =	sdelay $0x1  }
0x164: {  	s18 =	simm.s32 $0xE800;
	v3 =	vadd.s32 v1, v3  }
0x165: {  	[tilespmem:s18], [sflag:$0x2] =	stream.indirect_vreg.gather [hbm4b:s4+s3], $0x80, v4, vm0, $0xb8;
	[tilespmem:$0x1A800] =	vst v63  }
0x166: {  	s18 =	simm.s32 $0xF000  }
0x167: {  	[tilespmem:s18], [sflag:$0x2] =	stream.indirect_vreg.gather [hbm4b:s7+s3], $0x80, v4, vm0, $0xb8;
	[tilespmem:$0x1A800] =	vst v63  }
0x168: {  	s18 =	simm.s32 $0xF800  }
0x169: {  	[tilespmem:s18], [sflag:$0x2] =	stream.indirect_vreg.gather [hbm4b:s4+s3], $0x80, v3, vm0, $0xb8;
	[tilespmem:$0x1A800] =	vst v63  }
0x16a: {  	s18 =	simm.s32 $0x10000  }
0x16b: {  	[tilespmem:s18], [sflag:$0x2] =	stream.indirect_vreg.gather [hbm4b:s7+s3], $0x80, v3, vm0, $0xb8;
	[tilespmem:$0x1A800] =	vst v63  }
0x16c: {  	v3 =	vld [tilespmem:s1+$0x90];
	_ =	sdelay $0x4  }
0x16d: {  	v63 =	vshll.u32 v3, $0x2  }
0x16e: {  	v3 =	vand.u32 $0x7, v3;
	v4 =	vand.u32 $0xFFFFFFE0, v63  }
0x16f: {  	v3 =	vor.u32 v3, v4  }
0x170: {  	v4 =	vperm.xlane v3, v0;
	_ =	sdelay $0x1  }
0x171: {  	v4 =	vadd.s32 v1, v4;
	_ =	sdelay $0x2  }
0x172: {  	v3 =	vperm.xlane v3, v2  }
0x173: {  	s18 =	simm.s32 $0x10800  }
0x174: {  	v3 =	vadd.s32 v1, v3;
	[tilespmem:s18], [sflag:$0x2] =	stream.indirect_vreg.gather [hbm4b:s4+s3], $0x80, v4, vm0, $0xb8;
	[tilespmem:$0x1A800] =	vst v63  }
0x175: {  	s18 =	simm.s32 $0x11000  }
0x176: {  	[tilespmem:s18], [sflag:$0x2] =	stream.indirect_vreg.gather [hbm4b:s7+s3], $0x80, v4, vm0, $0xb8;
	[tilespmem:$0x1A800] =	vst v63  }
.Ltmp8:
0x177: {  	_ = 	snop;
	(pc) =	sbr.rel .LBB2_9-.Ltmp8, $4  }
0x178: {  	s18 =	simm.s32 $0x11800  }
0x179: {  	[tilespmem:s18], [sflag:$0x2] =	stream.indirect_vreg.gather [hbm4b:s4+s3], $0x80, v3, vm0, $0xb8;
	[tilespmem:$0x1A800] =	vst v63  }
0x17a: {  	s18 =	simm.s32 $0x12000  }
0x17b: {  	[tilespmem:s18], [sflag:$0x2] =	stream.indirect_vreg.gather [hbm4b:s7+s3], $0x80, v3, vm0, $0xb8;
	[tilespmem:$0x1A800] =	vst v63  }
.LBB2_11:
0x17c: {  	_ =	sfence.sel $0x180000  }
0x17d: {  	[bflag:$0x0] =	sbarrier.arrive $0xFFFF  }
0x17e: {  	_ =	strace $0x90000047  }
0x17f: {  	s0 =	stileid.u32;
	[bflag:$0x2] =	sbarrier.arrive $0xFFFF  }
0x180: {  	p0 =	sne.s32 s0, $0x0;
	s0 =	rddreg [dreg:$0x2]  }
0x181: {  	s0 =	sadd.s32 @!p0 $0x100000, s0  }
0x182: {  	[sflag:s0] =	ssyncadd.tile.s32 @!p0 $0x1;
	_ =	shalt  }
.Lfunc_end2:
_tile_overlayer_lowered:
.L_overlay_start_2:
0x183: {  	(tag) =	ssettag $0x2  }
0x184: {  	s0 =	rddreg [dreg:$0x0];
	s2 =	stileid.u32  }
0x185: {  	s1 =	rddreg [dreg:$0x1];
	p0 =	sne.s32 s2, $0x0  }
0x186: {  	s3 =	rddreg [dreg:$0x2];
	[bflag:$0x3] =	sbarrier.arrive $0xFFFF;
	s2 =	simm.s32 @!p0 $0x1C07  }
0x187: {  	[timem:s3], [sflag:s2] =	dma.local @!p0 [hbm:s0], s1  }
0x188: {  	s0 =	simm.s32 @!p0 $0x7  }
0x189: {  	_ =	swait.ge @!p0 [sflag:s0], s1  }
0x18a: {  	s1 =	ssub.s32 @!p0 $0x0, s1;
	[sflag:s0] =	ssyncset.done @!p0 $0x0  }
0x18b: {  	[sflag:s0] =	ssyncadd.s32 @!p0 s1  }
0x18c: {  	[bflag:$0x3] =	sbarrier.arrive $0xFFFF  }
0x18d: {  	_ =	shalt  }

</sc_bundles>
